<compile_context>
chip_gen: v7x
topology: tpu7x:2x2x1
jax: 0.10.2.dev20260603
libtpu: 0.0.44.dev20260713+nightly
codegen_flags: <defaults>
</compile_context>

<pallas_src>
import functools

import jax
import jax.numpy as jnp
from jax import lax
from jax.experimental import pallas as pl
from jax.experimental.pallas import tpu as pltpu
from jax.experimental.pallas import tpu_sc as plsc

N = 10000
E = 320000
F = 128
H = 128
O = 64
HD = H // 2

NC = 2
NS = 16
NW = NC * NS
K = 128
CH1 = 162
HF1 = CH1 // 2
CH2 = 81
CHD = 80
N_PAD = 10112
RT = N_PAD // NS


@functools.lru_cache(maxsize=None)
def _mesh():
    return plsc.VectorSubcoreMesh(
        core_axis_name="c", subcore_axis_name="s",
        num_cores=NC, num_subcores=NS)


_SC_PARAMS = pltpu.CompilerParams(use_tc_tiling_on_sc=False)

_NBUF = 3


def _run_pipe(ystage, acc, sidx, didx, rows, gsem, ssem, ch):

    def gather(c, b):
        pltpu.async_copy(ystage.at[sidx.at[c]], rows[b], gsem[b])

    def wait_gather(c, b):
        pltpu.make_async_copy(ystage.at[sidx.at[c]], rows[b], gsem[b]).wait()

    def scatter(c, b):
        pltpu.async_copy(rows[b], acc.at[didx.at[c]], ssem[b], add=True)

    def wait_scatter(c, b):
        pltpu.make_async_copy(rows[b], acc.at[didx.at[c]], ssem[b]).wait()

    for b in range(_NBUF):
        gather(b, b)

    def step(jj, carry):
        for i in range(_NBUF):
            c = jj * _NBUF + i
            wait_gather(c, i)
            scatter(c, i)
            bp = (i - 1) % _NBUF

            @pl.when((c >= 1) & (c + 2 < ch))
            def _():
                wait_scatter(c - 1, bp)
                gather(c + 2, bp)

        return carry

    lax.fori_loop(0, ch // _NBUF, step, 0)
    for i in range(_NBUF):
        wait_scatter(ch - _NBUF + i, (ch - _NBUF + i) % _NBUF)



def _deg_body(dst_hbm, zeros16_hbm, ones_hbm, out_hbm, idx_v, ones_v, acc):
    cid = lax.axis_index("c")
    sid = lax.axis_index("s")
    wid = sid * NC + cid
    pltpu.sync_copy(dst_hbm.at[wid], idx_v)
    pltpu.sync_copy(ones_hbm, ones_v)
    pltpu.sync_copy(zeros16_hbm.at[pl.ds(sid * RT, RT)],
                    acc.at[pl.ds(sid * RT, RT)])
    plsc.subcore_barrier()

    def body(j, carry):
        pltpu.sync_copy(ones_v, acc.at[idx_v.at[j]], add=True)
        return carry

    lax.fori_loop(0, CHD, body, 0)
    plsc.subcore_barrier()
    pltpu.sync_copy(acc.at[pl.ds(sid * RT, RT)],
                    out_hbm.at[cid, pl.ds(sid * RT, RT)])


@functools.lru_cache(maxsize=None)
def _deg_call():
    return pl.kernel(
        _deg_body,
        out_type=jax.ShapeDtypeStruct((NC, N_PAD, 16), jnp.float32),
        mesh=_mesh(),
        compiler_params=_SC_PARAMS,
        scratch_types=[
            pltpu.VMEM((CHD, K), jnp.int32),
            pltpu.VMEM((K, 16), jnp.float32),
            pltpu.VMEM_SHARED((N_PAD, 16), jnp.float32),
        ],
    )


@functools.lru_cache(maxsize=None)
def _seg1_call():
    d, k = HD, K

    def body(y_hbm, src_hbm, dst_hbm, zeros_hbm, out_hbm,
             sidx, didx, rows0, rows1, rows2,
             gs0, gs1, gs2, ss0, ss1, ss2, ystage, acc):
        rows = (rows0, rows1, rows2)
        gsem = (gs0, gs1, gs2)
        ssem = (ss0, ss1, ss2)
        cid = lax.axis_index("c")
        sid = lax.axis_index("s")
        pltpu.sync_copy(zeros_hbm.at[pl.ds(sid * RT, RT)],
                        acc.at[pl.ds(sid * RT, RT)])
        pltpu.sync_copy(y_hbm.at[cid, pl.ds(sid * RT, RT)],
                        ystage.at[pl.ds(sid * RT, RT)])
        plsc.subcore_barrier()

        for half in range(2):
            pltpu.sync_copy(src_hbm.at[sid, pl.ds(half * HF1, HF1)], sidx)
            pltpu.sync_copy(dst_hbm.at[sid, pl.ds(half * HF1, HF1)], didx)
            _run_pipe(ystage, acc, sidx, didx, rows, gsem, ssem, HF1)

        plsc.subcore_barrier()
        pltpu.sync_copy(acc.at[pl.ds(sid * RT, RT)],
                        out_hbm.at[cid, pl.ds(sid * RT, RT)])

    return pl.kernel(
        body,
        out_type=jax.ShapeDtypeStruct((NC, N_PAD, d), jnp.float32),
        mesh=_mesh(),
        compiler_params=_SC_PARAMS,
        scratch_types=[
            pltpu.VMEM((HF1, k), jnp.int32),
            pltpu.VMEM((HF1, k), jnp.int32),
            pltpu.VMEM((k, d), jnp.float32),
            pltpu.VMEM((k, d), jnp.float32),
            pltpu.VMEM((k, d), jnp.float32),
            pltpu.SemaphoreType.DMA,
            pltpu.SemaphoreType.DMA,
            pltpu.SemaphoreType.DMA,
            pltpu.SemaphoreType.DMA,
            pltpu.SemaphoreType.DMA,
            pltpu.SemaphoreType.DMA,
            pltpu.VMEM_SHARED((N_PAD, d), jnp.float32),
            pltpu.VMEM_SHARED((N_PAD, d), jnp.float32),
        ],
    )


@functools.lru_cache(maxsize=None)
def _seg2_call():
    d, k, ch = O, K, CH2

    def body(y_hbm, src_hbm, dst_hbm, zeros_hbm, out_hbm,
             sidx, didx, rows0, rows1, rows2,
             gs0, gs1, gs2, ss0, ss1, ss2, ystage, acc):
        rows = (rows0, rows1, rows2)
        gsem = (gs0, gs1, gs2)
        ssem = (ss0, ss1, ss2)
        cid = lax.axis_index("c")
        sid = lax.axis_index("s")
        wid = sid * NC + cid
        pltpu.sync_copy(src_hbm.at[wid], sidx)
        pltpu.sync_copy(dst_hbm.at[wid], didx)
        pltpu.sync_copy(zeros_hbm.at[pl.ds(sid * RT, RT)],
                        acc.at[pl.ds(sid * RT, RT)])
        pltpu.sync_copy(y_hbm.at[pl.ds(sid * RT, RT)],
                        ystage.at[pl.ds(sid * RT, RT)])
        plsc.subcore_barrier()
        _run_pipe(ystage, acc, sidx, didx, rows, gsem, ssem, ch)
        plsc.subcore_barrier()
        pltpu.sync_copy(acc.at[pl.ds(sid * RT, RT)],
                        out_hbm.at[cid, pl.ds(sid * RT, RT)])

    return pl.kernel(
        body,
        out_type=jax.ShapeDtypeStruct((NC, N_PAD, d), jnp.float32),
        mesh=_mesh(),
        compiler_params=_SC_PARAMS,
        scratch_types=[
            pltpu.VMEM((ch, k), jnp.int32),
            pltpu.VMEM((ch, k), jnp.int32),
            pltpu.VMEM((k, d), jnp.float32),
            pltpu.VMEM((k, d), jnp.float32),
            pltpu.VMEM((k, d), jnp.float32),
            pltpu.SemaphoreType.DMA,
            pltpu.SemaphoreType.DMA,
            pltpu.SemaphoreType.DMA,
            pltpu.SemaphoreType.DMA,
            pltpu.SemaphoreType.DMA,
            pltpu.SemaphoreType.DMA,
            pltpu.VMEM_SHARED((N_PAD, d), jnp.float32),
            pltpu.VMEM_SHARED((N_PAD, d), jnp.float32),
        ],
    )



def _tc1_body(x_ref, w_ref, degp_ref, y_ref, dinv_ref):
    deg = degp_ref[0][:, 0:1] + degp_ref[1][:, 0:1] + 1.0
    dinv = lax.rsqrt(deg)
    y = dinv * jnp.dot(x_ref[...], w_ref[...],
                       preferred_element_type=jnp.float32)
    y_ref[0] = y[:, :HD]
    y_ref[1] = y[:, HD:]
    dinv_ref[...] = dinv


_tc1_call = pl.pallas_call(
    _tc1_body,
    out_shape=(
        jax.ShapeDtypeStruct((NC, N_PAD, HD), jnp.float32),
        jax.ShapeDtypeStruct((N_PAD, 1), jnp.float32),
    ),
)


def _tc2_body(s_ref, y1_ref, dinv_ref, b1_ref, scale_ref, w2_ref, y2_ref):
    dinv = dinv_ref[...]
    s1 = jnp.concatenate([s_ref[0], s_ref[1]], axis=-1)
    y1 = jnp.concatenate([y1_ref[0], y1_ref[1]], axis=-1)
    h = dinv * (s1 + y1) + b1_ref[...]
    h = jnp.where(h >= 0.0, h, 0.01 * h)
    h = h * scale_ref[...]
    y2_ref[...] = dinv * jnp.dot(h, w2_ref[...],
                                 preferred_element_type=jnp.float32)


_tc2_call = pl.pallas_call(
    _tc2_body,
    out_shape=jax.ShapeDtypeStruct((N_PAD, O), jnp.float32),
)


def _tc3_body(s_ref, y2_ref, dinv_ref, b2_ref, out_ref):
    t = dinv_ref[...] * (s_ref[0] + s_ref[1] + y2_ref[...]) + b2_ref[...]
    out_ref[...] = jnp.where(t >= 0.0, t, 0.01 * t)


_tc3_call = pl.pallas_call(
    _tc3_body,
    out_shape=jax.ShapeDtypeStruct((N_PAD, O), jnp.float32),
)



def kernel(x, edge_idx, W1, b1, W2, b2):
    src = edge_idx[0]
    dst = edge_idx[1]

    def chunked(a, t, ch):
        padi = jnp.full((t * ch * K - E,), N, jnp.int32)
        return jnp.concatenate([a, padi]).reshape(t, ch, K)

    srcp1 = chunked(src, NS, CH1)
    dstp1 = chunked(dst, NS, CH1)
    srcp2 = chunked(src, NW, CH2)
    dstp2 = chunked(dst, NW, CH2)
    dstpd = chunked(dst, NW, CHD)
    xp = jnp.pad(x, ((0, N_PAD - N), (0, 0)))

    zeros16 = jnp.zeros((N_PAD, 16), jnp.float32)
    ones16 = jnp.ones((K, 16), jnp.float32)
    zerosD = jnp.zeros((N_PAD, HD), jnp.float32)

    mask = jax.random.bernoulli(jax.random.key(42), 0.5, (N, H))
    scale = jnp.pad(jnp.where(mask, 2.0, 0.0).astype(jnp.float32),
                    ((0, N_PAD - N), (0, 0)))

    degp = _deg_call()(dstpd, zeros16, ones16)
    y1h, dinv = _tc1_call(xp, W1, degp)
    s1 = _seg1_call()(y1h, srcp1, dstp1, zerosD)
    y2 = _tc2_call(s1, y1h, dinv, b1.reshape(1, H), scale, W2)
    s2 = _seg2_call()(y2, srcp2, dstp2, zerosD)
    out = _tc3_call(s2, y2, dinv, b2.reshape(1, O))
    return out[:N]

# --- scband reference (transcript-rebuilt; emitter-appended) ---
"""Pipeline reference for scband-gcnencoder-64364379898081 (READ-ONLY COPY).

The authoritative reference and input builder live on the scoring server;
editing this copy changes nothing except your own understanding.
"""

import jax, jax.numpy as jnp
import numpy as np

N_NODES = 10000
N_EDGES = 320000
NFEAT = 128
NHID = 128
NOUT = NHID // 2


def setup_inputs(seed: int = 0) -> dict:
    key = jax.random.key(seed)
    k1, k2, k3, k4, k5, k6 = jax.random.split(key, 6)
    x = jax.random.normal(k1, (N_NODES, NFEAT), dtype=jnp.float32)
    edge_idx = jax.random.randint(k2, (2, N_EDGES), 0, N_NODES, dtype=jnp.int32)
    W1 = jax.random.normal(k3, (NFEAT, NHID), dtype=jnp.float32) * (1.0 / np.sqrt(NFEAT))
    b1 = jnp.zeros((NHID,), dtype=jnp.float32)
    W2 = jax.random.normal(k4, (NHID, NOUT), dtype=jnp.float32) * (1.0 / np.sqrt(NHID))
    b2 = jnp.zeros((NOUT,), dtype=jnp.float32)
    return {"x": x, "edge_idx": edge_idx, "W1": W1, "b1": b1, "W2": W2, "b2": b2}


def _gcn_conv(x, edge_idx, W, b):
    # GCNConv: D^{-1/2} (A + I) D^{-1/2} X W + b
    n = x.shape[0]
    loop = jnp.arange(n, dtype=edge_idx.dtype)
    src = jnp.concatenate([edge_idx[0], loop])
    dst = jnp.concatenate([edge_idx[1], loop])
    deg = jnp.zeros((n,), dtype=x.dtype).at[dst].add(1.0)
    dinv = jnp.where(deg > 0, 1.0 / jnp.sqrt(deg), 0.0)
    norm = dinv[src] * dinv[dst]
    xw = x @ W
    msgs = xw[src] * norm[:, None]
    out = jnp.zeros((n, W.shape[1]), dtype=x.dtype).at[dst].add(msgs)
    return out + b


def reference(x, edge_idx, W1, b1, W2, b2):
    h = _gcn_conv(x, edge_idx, W1, b1)
    h = jax.nn.leaky_relu(h, negative_slope=0.01)
    # F.dropout(p=0.5) in training mode, with a fixed key for determinism
    dk = jax.random.key(42)
    mask = jax.random.bernoulli(dk, 0.5, h.shape)
    h = jnp.where(mask, h / 0.5, 0.0)
    h = _gcn_conv(h, edge_idx, W2, b2)
    h = jax.nn.leaky_relu(h, negative_slope=0.01)
    return h

if __name__ == "__main__":
    import jax
    _d = setup_inputs()
    print(jax.jit(kernel)(*tuple(_d.values())))

</pallas_src>

<mosaic_0001>
#map = affine_map<(d0, d1) -> (0, 0, 0)>
#map1 = affine_map<(d0, d1) -> (0, 0)>
module attributes {stable_mosaic.version = 14 : i64} {
  func.func @_deg_body(%arg0: i32, %arg1: i32, %arg2: memref<32x80x128xi32, #tpu.memory_space<hbm>>, %arg3: memref<10112x16xf32, #tpu.memory_space<hbm>>, %arg4: memref<128x16xf32, #tpu.memory_space<hbm>>, %arg5: memref<2x10112x16xf32, #tpu.memory_space<hbm>>, %arg6: memref<80x128xi32, #tpu.memory_space<vmem>>, %arg7: memref<128x16xf32, #tpu.memory_space<vmem>>, %arg8: memref<10112x16xf32, #tpu.memory_space<vmem_shared>>) attributes {dimension_semantics = [#tpu.dimension_semantics<core_parallel>, #tpu.dimension_semantics<subcore_parallel>], iteration_bounds = array<i64: 2, 16>, scalar_prefetch = 0 : i64, scratch_operands = 3 : i64, tpu.core_type = #tpu.core_type<sc_vector_subcore>, window_params = [{transform_indices = #map}, {transform_indices = #map1}, {transform_indices = #map1}, {transform_indices = #map}]} {
    %mul3A = arith.constant 2 : i32
    %mul3A_0 = arith.muli %arg1, %mul3A : i32
    %add3A = arith.addi %mul3A_0, %arg0 : i32
    "tpu.region"() ({
      %run_scoped3A = tpu.sem_alloc : memref<!tpu.dma_semaphore, #tpu.memory_space<semaphore_mem>>
      %dma_start3A = arith.constant 0 : i32
      %dma_start3A_15 = arith.constant 0 : i32
      %dma_start3A_16 = tpu.memref_slice %arg2[%add3A, %dma_start3A, %dma_start3A_15] : memref<32x80x128xi32, #tpu.memory_space<hbm>> -> memref<1x80x128xi32, #tpu.memory_space<hbm>>
      %dma_start3A_17 = tpu.memref_squeeze %dma_start3A_16 : memref<1x80x128xi32, #tpu.memory_space<hbm>> -> memref<80x128xi32, #tpu.memory_space<hbm>>
      %dma_start3A_18 = arith.constant 0 : i32
      %dma_start3A_19 = arith.constant 0 : i32
      %dma_start3A_20 = tpu.memref_slice %arg2[%add3A, %dma_start3A_18, %dma_start3A_19] : memref<32x80x128xi32, #tpu.memory_space<hbm>> -> memref<1x80x128xi32, #tpu.memory_space<hbm>>
      %dma_start3A_21 = tpu.memref_squeeze %dma_start3A_20 : memref<1x80x128xi32, #tpu.memory_space<hbm>> -> memref<80x128xi32, #tpu.memory_space<hbm>>
      tpu.enqueue_dma source(%dma_start3A_21 : memref<80x128xi32, #tpu.memory_space<hbm>>) target(%arg6 : memref<80x128xi32, #tpu.memory_space<vmem>>) target_semaphore(%run_scoped3A : memref<!tpu.dma_semaphore, #tpu.memory_space<semaphore_mem>>)
      %dma_wait3A = arith.constant 0 : i32
      %dma_wait3A_22 = arith.constant 0 : i32
      %dma_wait3A_23 = tpu.memref_slice %arg2[%add3A, %dma_wait3A, %dma_wait3A_22] : memref<32x80x128xi32, #tpu.memory_space<hbm>> -> memref<1x80x128xi32, #tpu.memory_space<hbm>>
      %dma_wait3A_24 = tpu.memref_squeeze %dma_wait3A_23 : memref<1x80x128xi32, #tpu.memory_space<hbm>> -> memref<80x128xi32, #tpu.memory_space<hbm>>
      %dma_wait3A_25 = arith.constant 0 : i32
      %dma_wait3A_26 = arith.constant 0 : i32
      %dma_wait3A_27 = tpu.memref_slice %arg2[%add3A, %dma_wait3A_25, %dma_wait3A_26] : memref<32x80x128xi32, #tpu.memory_space<hbm>> -> memref<1x80x128xi32, #tpu.memory_space<hbm>>
      %dma_wait3A_28 = tpu.memref_squeeze %dma_wait3A_27 : memref<1x80x128xi32, #tpu.memory_space<hbm>> -> memref<80x128xi32, #tpu.memory_space<hbm>>
      tpu.wait_dma2 semaphore(%run_scoped3A : memref<!tpu.dma_semaphore, #tpu.memory_space<semaphore_mem>>) src(%dma_wait3A_28 : memref<80x128xi32, #tpu.memory_space<hbm>>) dst(%arg6 : memref<80x128xi32, #tpu.memory_space<vmem>>)
      tpu.yield
    }) : () -> ()
    "tpu.region"() ({
      %run_scoped3A = tpu.sem_alloc : memref<!tpu.dma_semaphore, #tpu.memory_space<semaphore_mem>>
      tpu.enqueue_dma source(%arg4 : memref<128x16xf32, #tpu.memory_space<hbm>>) target(%arg7 : memref<128x16xf32, #tpu.memory_space<vmem>>) target_semaphore(%run_scoped3A : memref<!tpu.dma_semaphore, #tpu.memory_space<semaphore_mem>>)
      tpu.wait_dma2 semaphore(%run_scoped3A : memref<!tpu.dma_semaphore, #tpu.memory_space<semaphore_mem>>) src(%arg4 : memref<128x16xf32, #tpu.memory_space<hbm>>) dst(%arg7 : memref<128x16xf32, #tpu.memory_space<vmem>>)
      tpu.yield
    }) : () -> ()
    %mul3A_1 = arith.constant 632 : i32
    %mul3A_2 = arith.muli %arg1, %mul3A_1 : i32
    %mul3A_3 = arith.constant 632 : i32
    %mul3A_4 = arith.muli %arg1, %mul3A_3 : i32
    "tpu.region"() ({
      %run_scoped3A = tpu.sem_alloc : memref<!tpu.dma_semaphore, #tpu.memory_space<semaphore_mem>>
      %dma_start3A = arith.constant 0 : i32
      %dma_start3A_15 = tpu.memref_slice %arg8[%mul3A_4, %dma_start3A] : memref<10112x16xf32, #tpu.memory_space<vmem_shared>> -> memref<632x16xf32, #tpu.memory_space<vmem_shared>>
      %dma_start3A_16 = arith.constant 0 : i32
      %dma_start3A_17 = tpu.memref_slice %arg3[%mul3A_2, %dma_start3A_16] : memref<10112x16xf32, #tpu.memory_space<hbm>> -> memref<632x16xf32, #tpu.memory_space<hbm>>
      tpu.enqueue_dma source(%dma_start3A_17 : memref<632x16xf32, #tpu.memory_space<hbm>>) target(%dma_start3A_15 : memref<632x16xf32, #tpu.memory_space<vmem_shared>>) target_semaphore(%run_scoped3A : memref<!tpu.dma_semaphore, #tpu.memory_space<semaphore_mem>>)
      %dma_wait3A = arith.constant 0 : i32
      %dma_wait3A_18 = tpu.memref_slice %arg8[%mul3A_4, %dma_wait3A] : memref<10112x16xf32, #tpu.memory_space<vmem_shared>> -> memref<632x16xf32, #tpu.memory_space<vmem_shared>>
      %dma_wait3A_19 = arith.constant 0 : i32
      %dma_wait3A_20 = tpu.memref_slice %arg3[%mul3A_2, %dma_wait3A_19] : memref<10112x16xf32, #tpu.memory_space<hbm>> -> memref<632x16xf32, #tpu.memory_space<hbm>>
      tpu.wait_dma2 semaphore(%run_scoped3A : memref<!tpu.dma_semaphore, #tpu.memory_space<semaphore_mem>>) src(%dma_wait3A_20 : memref<632x16xf32, #tpu.memory_space<hbm>>) dst(%dma_wait3A_18 : memref<632x16xf32, #tpu.memory_space<vmem_shared>>)
      tpu.yield
    }) : () -> ()
    %barrier3A = arith.constant 0 : index
    tpu.barrier barrier_id(%barrier3A)
    %scan3A = arith.constant 0 : i32
    %scan3A_5 = arith.constant 0 : i32
    %scan3A_6 = arith.constant 80 : i32
    %scan3A_7 = arith.addi %scan3A_5, %scan3A_6 : i32
    %scan3A_8 = arith.constant 1 : i32
    scf.for %scan3A_15 = %scan3A_5 to %scan3A_7 step %scan3A_8  : i32 {
      "tpu.region"() ({
        %run_scoped3A = tpu.sem_alloc : memref<!tpu.dma_semaphore, #tpu.memory_space<semaphore_mem>>
        %dma_start3A = arith.constant 0 : i32
        %dma_start3A_16 = tpu.memref_slice %arg6[%scan3A_15, %dma_start3A] : memref<80x128xi32, #tpu.memory_space<vmem>> -> memref<1x128xi32, #tpu.memory_space<vmem>>
        %dma_start3A_17 = tpu.memref_squeeze %dma_start3A_16 : memref<1x128xi32, #tpu.memory_space<vmem>> -> memref<128xi32, #tpu.memory_space<vmem>>
        %dma_start3A_18 = arith.constant 0 : i32
        %dma_start3A_19 = arith.constant 0 : i32
        %dma_start3A_20 = tpu.memref_slice %arg8[%dma_start3A_18, %dma_start3A_19] : memref<10112x16xf32, #tpu.memory_space<vmem_shared>> -> memref<10112x16xf32, #tpu.memory_space<vmem_shared>>
        tpu.enqueue_indirect_dma source(%arg7 : memref<128x16xf32, #tpu.memory_space<vmem>>) target(%dma_start3A_20 : memref<10112x16xf32, #tpu.memory_space<vmem_shared>>) offsets(%dma_start3A_17 : memref<128xi32, #tpu.memory_space<vmem>>) semaphore(%run_scoped3A : memref<!tpu.dma_semaphore, #tpu.memory_space<semaphore_mem>>) {add = true}
        %dma_wait3A = arith.constant 0 : i32
        %dma_wait3A_21 = tpu.memref_slice %arg6[%scan3A_15, %dma_wait3A] : memref<80x128xi32, #tpu.memory_space<vmem>> -> memref<1x128xi32, #tpu.memory_space<vmem>>
        %dma_wait3A_22 = tpu.memref_squeeze %dma_wait3A_21 : memref<1x128xi32, #tpu.memory_space<vmem>> -> memref<128xi32, #tpu.memory_space<vmem>>
        %dma_wait3A_23 = arith.constant 0 : i32
        %dma_wait3A_24 = arith.constant 0 : i32
        %dma_wait3A_25 = tpu.memref_slice %arg8[%dma_wait3A_23, %dma_wait3A_24] : memref<10112x16xf32, #tpu.memory_space<vmem_shared>> -> memref<10112x16xf32, #tpu.memory_space<vmem_shared>>
        tpu.wait_indirect_dma semaphore(%run_scoped3A : memref<!tpu.dma_semaphore, #tpu.memory_space<semaphore_mem>>) src(%arg7 : memref<128x16xf32, #tpu.memory_space<vmem>>) dst(%dma_wait3A_25 : memref<10112x16xf32, #tpu.memory_space<vmem_shared>>)
        tpu.yield
      }) : () -> ()
    }
    %scan3A_9 = arith.constant 80 : i32
    %barrier3A_10 = arith.constant 0 : index
    tpu.barrier barrier_id(%barrier3A_10)
    %mul3A_11 = arith.constant 632 : i32
    %mul3A_12 = arith.muli %arg1, %mul3A_11 : i32
    %mul3A_13 = arith.constant 632 : i32
    %mul3A_14 = arith.muli %arg1, %mul3A_13 : i32
    "tpu.region"() ({
      %run_scoped3A = tpu.sem_alloc : memref<!tpu.dma_semaphore, #tpu.memory_space<semaphore_mem>>
      %dma_start3A = arith.constant 0 : i32
      %dma_start3A_15 = tpu.memref_slice %arg5[%arg0, %mul3A_14, %dma_start3A] : memref<2x10112x16xf32, #tpu.memory_space<hbm>> -> memref<1x632x16xf32, #tpu.memory_space<hbm>>
      %dma_start3A_16 = tpu.memref_squeeze %dma_start3A_15 : memref<1x632x16xf32, #tpu.memory_space<hbm>> -> memref<632x16xf32, #tpu.memory_space<hbm>>
      %dma_start3A_17 = arith.constant 0 : i32
      %dma_start3A_18 = tpu.memref_slice %arg8[%mul3A_12, %dma_start3A_17] : memref<10112x16xf32, #tpu.memory_space<vmem_shared>> -> memref<632x16xf32, #tpu.memory_space<vmem_shared>>
      tpu.enqueue_dma source(%dma_start3A_18 : memref<632x16xf32, #tpu.memory_space<vmem_shared>>) target(%dma_start3A_16 : memref<632x16xf32, #tpu.memory_space<hbm>>) target_semaphore(%run_scoped3A : memref<!tpu.dma_semaphore, #tpu.memory_space<semaphore_mem>>)
      %dma_wait3A = arith.constant 0 : i32
      %dma_wait3A_19 = tpu.memref_slice %arg5[%arg0, %mul3A_14, %dma_wait3A] : memref<2x10112x16xf32, #tpu.memory_space<hbm>> -> memref<1x632x16xf32, #tpu.memory_space<hbm>>
      %dma_wait3A_20 = tpu.memref_squeeze %dma_wait3A_19 : memref<1x632x16xf32, #tpu.memory_space<hbm>> -> memref<632x16xf32, #tpu.memory_space<hbm>>
      %dma_wait3A_21 = arith.constant 0 : i32
      %dma_wait3A_22 = tpu.memref_slice %arg8[%mul3A_12, %dma_wait3A_21] : memref<10112x16xf32, #tpu.memory_space<vmem_shared>> -> memref<632x16xf32, #tpu.memory_space<vmem_shared>>
      tpu.wait_dma2 semaphore(%run_scoped3A : memref<!tpu.dma_semaphore, #tpu.memory_space<semaphore_mem>>) src(%dma_wait3A_22 : memref<632x16xf32, #tpu.memory_space<vmem_shared>>) dst(%dma_wait3A_20 : memref<632x16xf32, #tpu.memory_space<hbm>>)
      tpu.yield
    }) : () -> ()
    return
  }
}

#map = affine_map<(d0, d1) -> (0, 0, 0)>
#map1 = affine_map<(d0, d1) -> (0, 0)>
module attributes {stable_mosaic.version = 14 : i64} {
  func.func @body(%arg0: i32, %arg1: i32, %arg2: memref<2x10112x64xf32, #tpu.memory_space<hbm>>, %arg3: memref<16x162x128xi32, #tpu.memory_space<hbm>>, %arg4: memref<16x162x128xi32, #tpu.memory_space<hbm>>, %arg5: memref<10112x64xf32, #tpu.memory_space<hbm>>, %arg6: memref<2x10112x64xf32, #tpu.memory_space<hbm>>, %arg7: memref<81x128xi32, #tpu.memory_space<vmem>>, %arg8: memref<81x128xi32, #tpu.memory_space<vmem>>, %arg9: memref<128x64xf32, #tpu.memory_space<vmem>>, %arg10: memref<128x64xf32, #tpu.memory_space<vmem>>, %arg11: memref<128x64xf32, #tpu.memory_space<vmem>>, %arg12: memref<!tpu.dma_semaphore, #tpu.memory_space<semaphore_mem>>, %arg13: memref<!tpu.dma_semaphore, #tpu.memory_space<semaphore_mem>>, %arg14: memref<!tpu.dma_semaphore, #tpu.memory_space<semaphore_mem>>, %arg15: memref<!tpu.dma_semaphore, #tpu.memory_space<semaphore_mem>>, %arg16: memref<!tpu.dma_semaphore, #tpu.memory_space<semaphore_mem>>, %arg17: memref<!tpu.dma_semaphore, #tpu.memory_space<semaphore_mem>>, %arg18: memref<10112x64xf32, #tpu.memory_space<vmem_shared>>, %arg19: memref<10112x64xf32, #tpu.memory_space<vmem_shared>>) attributes {dimension_semantics = [#tpu.dimension_semantics<core_parallel>, #tpu.dimension_semantics<subcore_parallel>], iteration_bounds = array<i64: 2, 16>, scalar_prefetch = 0 : i64, scratch_operands = 13 : i64, tpu.core_type = #tpu.core_type<sc_vector_subcore>, window_params = [{transform_indices = #map}, {transform_indices = #map}, {transform_indices = #map}, {transform_indices = #map1}, {transform_indices = #map}]} {
    %mul3A = arith.constant 632 : i32
    %mul3A_0 = arith.muli %arg1, %mul3A : i32
    %mul3A_1 = arith.constant 632 : i32
    %mul3A_2 = arith.muli %arg1, %mul3A_1 : i32
    "tpu.region"() ({
      %run_scoped3A = tpu.sem_alloc : memref<!tpu.dma_semaphore, #tpu.memory_space<semaphore_mem>>
      %dma_start3A_105 = arith.constant 0 : i32
      %dma_start3A_106 = tpu.memref_slice %arg19[%mul3A_2, %dma_start3A_105] : memref<10112x64xf32, #tpu.memory_space<vmem_shared>> -> memref<632x64xf32, #tpu.memory_space<vmem_shared>>
      %dma_start3A_107 = arith.constant 0 : i32
      %dma_start3A_108 = tpu.memref_slice %arg5[%mul3A_0, %dma_start3A_107] : memref<10112x64xf32, #tpu.memory_space<hbm>> -> memref<632x64xf32, #tpu.memory_space<hbm>>
      tpu.enqueue_dma source(%dma_start3A_108 : memref<632x64xf32, #tpu.memory_space<hbm>>) target(%dma_start3A_106 : memref<632x64xf32, #tpu.memory_space<vmem_shared>>) target_semaphore(%run_scoped3A : memref<!tpu.dma_semaphore, #tpu.memory_space<semaphore_mem>>)
      %dma_wait3A_109 = arith.constant 0 : i32
      %dma_wait3A_110 = tpu.memref_slice %arg19[%mul3A_2, %dma_wait3A_109] : memref<10112x64xf32, #tpu.memory_space<vmem_shared>> -> memref<632x64xf32, #tpu.memory_space<vmem_shared>>
      %dma_wait3A_111 = arith.constant 0 : i32
      %dma_wait3A_112 = tpu.memref_slice %arg5[%mul3A_0, %dma_wait3A_111] : memref<10112x64xf32, #tpu.memory_space<hbm>> -> memref<632x64xf32, #tpu.memory_space<hbm>>
      tpu.wait_dma2 semaphore(%run_scoped3A : memref<!tpu.dma_semaphore, #tpu.memory_space<semaphore_mem>>) src(%dma_wait3A_112 : memref<632x64xf32, #tpu.memory_space<hbm>>) dst(%dma_wait3A_110 : memref<632x64xf32, #tpu.memory_space<vmem_shared>>)
      tpu.yield
    }) : () -> ()
    %mul3A_3 = arith.constant 632 : i32
    %mul3A_4 = arith.muli %arg1, %mul3A_3 : i32
    %mul3A_5 = arith.constant 632 : i32
    %mul3A_6 = arith.muli %arg1, %mul3A_5 : i32
    "tpu.region"() ({
      %run_scoped3A = tpu.sem_alloc : memref<!tpu.dma_semaphore, #tpu.memory_space<semaphore_mem>>
      %dma_start3A_105 = arith.constant 0 : i32
      %dma_start3A_106 = tpu.memref_slice %arg18[%mul3A_6, %dma_start3A_105] : memref<10112x64xf32, #tpu.memory_space<vmem_shared>> -> memref<632x64xf32, #tpu.memory_space<vmem_shared>>
      %dma_start3A_107 = arith.constant 0 : i32
      %dma_start3A_108 = tpu.memref_slice %arg2[%arg0, %mul3A_4, %dma_start3A_107] : memref<2x10112x64xf32, #tpu.memory_space<hbm>> -> memref<1x632x64xf32, #tpu.memory_space<hbm>>
      %dma_start3A_109 = tpu.memref_squeeze %dma_start3A_108 : memref<1x632x64xf32, #tpu.memory_space<hbm>> -> memref<632x64xf32, #tpu.memory_space<hbm>>
      tpu.enqueue_dma source(%dma_start3A_109 : memref<632x64xf32, #tpu.memory_space<hbm>>) target(%dma_start3A_106 : memref<632x64xf32, #tpu.memory_space<vmem_shared>>) target_semaphore(%run_scoped3A : memref<!tpu.dma_semaphore, #tpu.memory_space<semaphore_mem>>)
      %dma_wait3A_110 = arith.constant 0 : i32
      %dma_wait3A_111 = tpu.memref_slice %arg18[%mul3A_6, %dma_wait3A_110] : memref<10112x64xf32, #tpu.memory_space<vmem_shared>> -> memref<632x64xf32, #tpu.memory_space<vmem_shared>>
      %dma_wait3A_112 = arith.constant 0 : i32
      %dma_wait3A_113 = tpu.memref_slice %arg2[%arg0, %mul3A_4, %dma_wait3A_112] : memref<2x10112x64xf32, #tpu.memory_space<hbm>> -> memref<1x632x64xf32, #tpu.memory_space<hbm>>
      %dma_wait3A_114 = tpu.memref_squeeze %dma_wait3A_113 : memref<1x632x64xf32, #tpu.memory_space<hbm>> -> memref<632x64xf32, #tpu.memory_space<hbm>>
      tpu.wait_dma2 semaphore(%run_scoped3A : memref<!tpu.dma_semaphore, #tpu.memory_space<semaphore_mem>>) src(%dma_wait3A_114 : memref<632x64xf32, #tpu.memory_space<hbm>>) dst(%dma_wait3A_111 : memref<632x64xf32, #tpu.memory_space<vmem_shared>>)
      tpu.yield
    }) : () -> ()
    %barrier3A = arith.constant 0 : index
    tpu.barrier barrier_id(%barrier3A)
    "tpu.region"() ({
      %run_scoped3A = tpu.sem_alloc : memref<!tpu.dma_semaphore, #tpu.memory_space<semaphore_mem>>
      %dma_start3A_105 = arith.constant 0 : i32
      %dma_start3A_106 = arith.constant 0 : i32
      %dma_start3A_107 = tpu.memref_slice %arg3[%arg1, %dma_start3A_105, %dma_start3A_106] : memref<16x162x128xi32, #tpu.memory_space<hbm>> -> memref<1x81x128xi32, #tpu.memory_space<hbm>>
      %dma_start3A_108 = tpu.memref_squeeze %dma_start3A_107 : memref<1x81x128xi32, #tpu.memory_space<hbm>> -> memref<81x128xi32, #tpu.memory_space<hbm>>
      %dma_start3A_109 = arith.constant 0 : i32
      %dma_start3A_110 = arith.constant 0 : i32
      %dma_start3A_111 = tpu.memref_slice %arg3[%arg1, %dma_start3A_109, %dma_start3A_110] : memref<16x162x128xi32, #tpu.memory_space<hbm>> -> memref<1x81x128xi32, #tpu.memory_space<hbm>>
      %dma_start3A_112 = tpu.memref_squeeze %dma_start3A_111 : memref<1x81x128xi32, #tpu.memory_space<hbm>> -> memref<81x128xi32, #tpu.memory_space<hbm>>
      tpu.enqueue_dma source(%dma_start3A_112 : memref<81x128xi32, #tpu.memory_space<hbm>>) target(%arg7 : memref<81x128xi32, #tpu.memory_space<vmem>>) target_semaphore(%run_scoped3A : memref<!tpu.dma_semaphore, #tpu.memory_space<semaphore_mem>>)
      %dma_wait3A_113 = arith.constant 0 : i32
      %dma_wait3A_114 = arith.constant 0 : i32
      %dma_wait3A_115 = tpu.memref_slice %arg3[%arg1, %dma_wait3A_113, %dma_wait3A_114] : memref<16x162x128xi32, #tpu.memory_space<hbm>> -> memref<1x81x128xi32, #tpu.memory_space<hbm>>
      %dma_wait3A_116 = tpu.memref_squeeze %dma_wait3A_115 : memref<1x81x128xi32, #tpu.memory_space<hbm>> -> memref<81x128xi32, #tpu.memory_space<hbm>>
      %dma_wait3A_117 = arith.constant 0 : i32
      %dma_wait3A_118 = arith.constant 0 : i32
      %dma_wait3A_119 = tpu.memref_slice %arg3[%arg1, %dma_wait3A_117, %dma_wait3A_118] : memref<16x162x128xi32, #tpu.memory_space<hbm>> -> memref<1x81x128xi32, #tpu.memory_space<hbm>>
      %dma_wait3A_120 = tpu.memref_squeeze %dma_wait3A_119 : memref<1x81x128xi32, #tpu.memory_space<hbm>> -> memref<81x128xi32, #tpu.memory_space<hbm>>
      tpu.wait_dma2 semaphore(%run_scoped3A : memref<!tpu.dma_semaphore, #tpu.memory_space<semaphore_mem>>) src(%dma_wait3A_120 : memref<81x128xi32, #tpu.memory_space<hbm>>) dst(%arg7 : memref<81x128xi32, #tpu.memory_space<vmem>>)
      tpu.yield
    }) : () -> ()
    "tpu.region"() ({
      %run_scoped3A = tpu.sem_alloc : memref<!tpu.dma_semaphore, #tpu.memory_space<semaphore_mem>>
      %dma_start3A_105 = arith.constant 0 : i32
      %dma_start3A_106 = arith.constant 0 : i32
      %dma_start3A_107 = tpu.memref_slice %arg4[%arg1, %dma_start3A_105, %dma_start3A_106] : memref<16x162x128xi32, #tpu.memory_space<hbm>> -> memref<1x81x128xi32, #tpu.memory_space<hbm>>
      %dma_start3A_108 = tpu.memref_squeeze %dma_start3A_107 : memref<1x81x128xi32, #tpu.memory_space<hbm>> -> memref<81x128xi32, #tpu.memory_space<hbm>>
      %dma_start3A_109 = arith.constant 0 : i32
      %dma_start3A_110 = arith.constant 0 : i32
      %dma_start3A_111 = tpu.memref_slice %arg4[%arg1, %dma_start3A_109, %dma_start3A_110] : memref<16x162x128xi32, #tpu.memory_space<hbm>> -> memref<1x81x128xi32, #tpu.memory_space<hbm>>
      %dma_start3A_112 = tpu.memref_squeeze %dma_start3A_111 : memref<1x81x128xi32, #tpu.memory_space<hbm>> -> memref<81x128xi32, #tpu.memory_space<hbm>>
      tpu.enqueue_dma source(%dma_start3A_112 : memref<81x128xi32, #tpu.memory_space<hbm>>) target(%arg8 : memref<81x128xi32, #tpu.memory_space<vmem>>) target_semaphore(%run_scoped3A : memref<!tpu.dma_semaphore, #tpu.memory_space<semaphore_mem>>)
      %dma_wait3A_113 = arith.constant 0 : i32
      %dma_wait3A_114 = arith.constant 0 : i32
      %dma_wait3A_115 = tpu.memref_slice %arg4[%arg1, %dma_wait3A_113, %dma_wait3A_114] : memref<16x162x128xi32, #tpu.memory_space<hbm>> -> memref<1x81x128xi32, #tpu.memory_space<hbm>>
      %dma_wait3A_116 = tpu.memref_squeeze %dma_wait3A_115 : memref<1x81x128xi32, #tpu.memory_space<hbm>> -> memref<81x128xi32, #tpu.memory_space<hbm>>
      %dma_wait3A_117 = arith.constant 0 : i32
      %dma_wait3A_118 = arith.constant 0 : i32
      %dma_wait3A_119 = tpu.memref_slice %arg4[%arg1, %dma_wait3A_117, %dma_wait3A_118] : memref<16x162x128xi32, #tpu.memory_space<hbm>> -> memref<1x81x128xi32, #tpu.memory_space<hbm>>
      %dma_wait3A_120 = tpu.memref_squeeze %dma_wait3A_119 : memref<1x81x128xi32, #tpu.memory_space<hbm>> -> memref<81x128xi32, #tpu.memory_space<hbm>>
      tpu.wait_dma2 semaphore(%run_scoped3A : memref<!tpu.dma_semaphore, #tpu.memory_space<semaphore_mem>>) src(%dma_wait3A_120 : memref<81x128xi32, #tpu.memory_space<hbm>>) dst(%arg8 : memref<81x128xi32, #tpu.memory_space<vmem>>)
      tpu.yield
    }) : () -> ()
    %dma_start3A = arith.constant 0 : i32
    %dma_start3A_7 = arith.constant 0 : i32
    %dma_start3A_8 = tpu.memref_slice %arg7[%dma_start3A, %dma_start3A_7] : memref<81x128xi32, #tpu.memory_space<vmem>> -> memref<1x128xi32, #tpu.memory_space<vmem>>
    %dma_start3A_9 = tpu.memref_squeeze %dma_start3A_8 : memref<1x128xi32, #tpu.memory_space<vmem>> -> memref<128xi32, #tpu.memory_space<vmem>>
    %dma_start3A_10 = arith.constant 0 : i32
    %dma_start3A_11 = arith.constant 0 : i32
    %dma_start3A_12 = tpu.memref_slice %arg18[%dma_start3A_10, %dma_start3A_11] : memref<10112x64xf32, #tpu.memory_space<vmem_shared>> -> memref<10112x64xf32, #tpu.memory_space<vmem_shared>>
    tpu.enqueue_indirect_dma source(%dma_start3A_12 : memref<10112x64xf32, #tpu.memory_space<vmem_shared>>) target(%arg9 : memref<128x64xf32, #tpu.memory_space<vmem>>) offsets(%dma_start3A_9 : memref<128xi32, #tpu.memory_space<vmem>>) semaphore(%arg12 : memref<!tpu.dma_semaphore, #tpu.memory_space<semaphore_mem>>)
    %dma_start3A_13 = arith.constant 1 : i32
    %dma_start3A_14 = arith.constant 0 : i32
    %dma_start3A_15 = tpu.memref_slice %arg7[%dma_start3A_13, %dma_start3A_14] : memref<81x128xi32, #tpu.memory_space<vmem>> -> memref<1x128xi32, #tpu.memory_space<vmem>>
    %dma_start3A_16 = tpu.memref_squeeze %dma_start3A_15 : memref<1x128xi32, #tpu.memory_space<vmem>> -> memref<128xi32, #tpu.memory_space<vmem>>
    %dma_start3A_17 = arith.constant 0 : i32
    %dma_start3A_18 = arith.constant 0 : i32
    %dma_start3A_19 = tpu.memref_slice %arg18[%dma_start3A_17, %dma_start3A_18] : memref<10112x64xf32, #tpu.memory_space<vmem_shared>> -> memref<10112x64xf32, #tpu.memory_space<vmem_shared>>
    tpu.enqueue_indirect_dma source(%dma_start3A_19 : memref<10112x64xf32, #tpu.memory_space<vmem_shared>>) target(%arg10 : memref<128x64xf32, #tpu.memory_space<vmem>>) offsets(%dma_start3A_16 : memref<128xi32, #tpu.memory_space<vmem>>) semaphore(%arg13 : memref<!tpu.dma_semaphore, #tpu.memory_space<semaphore_mem>>)
    %dma_start3A_20 = arith.constant 2 : i32
    %dma_start3A_21 = arith.constant 0 : i32
    %dma_start3A_22 = tpu.memref_slice %arg7[%dma_start3A_20, %dma_start3A_21] : memref<81x128xi32, #tpu.memory_space<vmem>> -> memref<1x128xi32, #tpu.memory_space<vmem>>
    %dma_start3A_23 = tpu.memref_squeeze %dma_start3A_22 : memref<1x128xi32, #tpu.memory_space<vmem>> -> memref<128xi32, #tpu.memory_space<vmem>>
    %dma_start3A_24 = arith.constant 0 : i32
    %dma_start3A_25 = arith.constant 0 : i32
    %dma_start3A_26 = tpu.memref_slice %arg18[%dma_start3A_24, %dma_start3A_25] : memref<10112x64xf32, #tpu.memory_space<vmem_shared>> -> memref<10112x64xf32, #tpu.memory_space<vmem_shared>>
    tpu.enqueue_indirect_dma source(%dma_start3A_26 : memref<10112x64xf32, #tpu.memory_space<vmem_shared>>) target(%arg11 : memref<128x64xf32, #tpu.memory_space<vmem>>) offsets(%dma_start3A_23 : memref<128xi32, #tpu.memory_space<vmem>>) semaphore(%arg14 : memref<!tpu.dma_semaphore, #tpu.memory_space<semaphore_mem>>)
    %scan3A = arith.constant 0 : i32
    %scan3A_27 = arith.constant 0 : i32
    %scan3A_28 = arith.constant 27 : i32
    %scan3A_29 = arith.addi %scan3A_27, %scan3A_28 : i32
    %scan3A_30 = arith.constant 1 : i32
    scf.for %scan3A_105 = %scan3A_27 to %scan3A_29 step %scan3A_30  : i32 {
      %mul3A_106 = arith.constant 3 : i32
      %mul3A_107 = arith.muli %scan3A_105, %mul3A_106 : i32
      %add3A = arith.constant 0 : i32
      %add3A_108 = arith.addi %mul3A_107, %add3A : i32
      %dma_wait3A_109 = arith.constant 0 : i32
      %dma_wait3A_110 = tpu.memref_slice %arg7[%add3A_108, %dma_wait3A_109] : memref<81x128xi32, #tpu.memory_space<vmem>> -> memref<1x128xi32, #tpu.memory_space<vmem>>
      %dma_wait3A_111 = tpu.memref_squeeze %dma_wait3A_110 : memref<1x128xi32, #tpu.memory_space<vmem>> -> memref<128xi32, #tpu.memory_space<vmem>>
      %dma_wait3A_112 = arith.constant 0 : i32
      %dma_wait3A_113 = arith.constant 0 : i32
      %dma_wait3A_114 = tpu.memref_slice %arg18[%dma_wait3A_112, %dma_wait3A_113] : memref<10112x64xf32, #tpu.memory_space<vmem_shared>> -> memref<10112x64xf32, #tpu.memory_space<vmem_shared>>
      tpu.wait_indirect_dma semaphore(%arg12 : memref<!tpu.dma_semaphore, #tpu.memory_space<semaphore_mem>>) src(%dma_wait3A_114 : memref<10112x64xf32, #tpu.memory_space<vmem_shared>>) dst(%arg9 : memref<128x64xf32, #tpu.memory_space<vmem>>)
      %dma_start3A_115 = arith.constant 0 : i32
      %dma_start3A_116 = tpu.memref_slice %arg8[%add3A_108, %dma_start3A_115] : memref<81x128xi32, #tpu.memory_space<vmem>> -> memref<1x128xi32, #tpu.memory_space<vmem>>
      %dma_start3A_117 = tpu.memref_squeeze %dma_start3A_116 : memref<1x128xi32, #tpu.memory_space<vmem>> -> memref<128xi32, #tpu.memory_space<vmem>>
      %dma_start3A_118 = arith.constant 0 : i32
      %dma_start3A_119 = arith.constant 0 : i32
      %dma_start3A_120 = tpu.memref_slice %arg19[%dma_start3A_118, %dma_start3A_119] : memref<10112x64xf32, #tpu.memory_space<vmem_shared>> -> memref<10112x64xf32, #tpu.memory_space<vmem_shared>>
      tpu.enqueue_indirect_dma source(%arg9 : memref<128x64xf32, #tpu.memory_space<vmem>>) target(%dma_start3A_120 : memref<10112x64xf32, #tpu.memory_space<vmem_shared>>) offsets(%dma_start3A_117 : memref<128xi32, #tpu.memory_space<vmem>>) semaphore(%arg15 : memref<!tpu.dma_semaphore, #tpu.memory_space<semaphore_mem>>) {add = true}
      %ge3A = arith.constant 1 : i32
      %ge3A_121 = arith.cmpi sge, %add3A_108, %ge3A : i32
      %add3A_122 = arith.constant 2 : i32
      %add3A_123 = arith.addi %add3A_108, %add3A_122 : i32
      %lt3A = arith.constant 81 : i32
      %lt3A_124 = arith.cmpi slt, %add3A_123, %lt3A : i32
      %and3A = arith.andi %ge3A_121, %lt3A_124 : i1
      %convert_element_type3A = arith.extui %and3A : i1 to i32
      %cond3A = arith.constant 0 : i32
      %cond3A_125 = arith.cmpi ne, %convert_element_type3A, %cond3A : i32
      scf.if %cond3A_125 {
        %sub3A = arith.constant 1 : i32
        %sub3A_178 = arith.subi %add3A_108, %sub3A : i32
        %dma_wait3A_179 = arith.constant 0 : i32
        %dma_wait3A_180 = tpu.memref_slice %arg8[%sub3A_178, %dma_wait3A_179] : memref<81x128xi32, #tpu.memory_space<vmem>> -> memref<1x128xi32, #tpu.memory_space<vmem>>
        %dma_wait3A_181 = tpu.memref_squeeze %dma_wait3A_180 : memref<1x128xi32, #tpu.memory_space<vmem>> -> memref<128xi32, #tpu.memory_space<vmem>>
        %dma_wait3A_182 = arith.constant 0 : i32
        %dma_wait3A_183 = arith.constant 0 : i32
        %dma_wait3A_184 = tpu.memref_slice %arg19[%dma_wait3A_182, %dma_wait3A_183] : memref<10112x64xf32, #tpu.memory_space<vmem_shared>> -> memref<10112x64xf32, #tpu.memory_space<vmem_shared>>
        tpu.wait_indirect_dma semaphore(%arg17 : memref<!tpu.dma_semaphore, #tpu.memory_space<semaphore_mem>>) src(%arg11 : memref<128x64xf32, #tpu.memory_space<vmem>>) dst(%dma_wait3A_184 : memref<10112x64xf32, #tpu.memory_space<vmem_shared>>)
        %add3A_185 = arith.constant 2 : i32
        %add3A_186 = arith.addi %add3A_108, %add3A_185 : i32
        %dma_start3A_187 = arith.constant 0 : i32
        %dma_start3A_188 = tpu.memref_slice %arg7[%add3A_186, %dma_start3A_187] : memref<81x128xi32, #tpu.memory_space<vmem>> -> memref<1x128xi32, #tpu.memory_space<vmem>>
        %dma_start3A_189 = tpu.memref_squeeze %dma_start3A_188 : memref<1x128xi32, #tpu.memory_space<vmem>> -> memref<128xi32, #tpu.memory_space<vmem>>
        %dma_start3A_190 = arith.constant 0 : i32
        %dma_start3A_191 = arith.constant 0 : i32
        %dma_start3A_192 = tpu.memref_slice %arg18[%dma_start3A_190, %dma_start3A_191] : memref<10112x64xf32, #tpu.memory_space<vmem_shared>> -> memref<10112x64xf32, #tpu.memory_space<vmem_shared>>
        tpu.enqueue_indirect_dma source(%dma_start3A_192 : memref<10112x64xf32, #tpu.memory_space<vmem_shared>>) target(%arg11 : memref<128x64xf32, #tpu.memory_space<vmem>>) offsets(%dma_start3A_189 : memref<128xi32, #tpu.memory_space<vmem>>) semaphore(%arg14 : memref<!tpu.dma_semaphore, #tpu.memory_space<semaphore_mem>>)
      } else {
      }
      %mul3A_126 = arith.constant 3 : i32
      %mul3A_127 = arith.muli %scan3A_105, %mul3A_126 : i32
      %add3A_128 = arith.constant 1 : i32
      %add3A_129 = arith.addi %mul3A_127, %add3A_128 : i32
      %dma_wait3A_130 = arith.constant 0 : i32
      %dma_wait3A_131 = tpu.memref_slice %arg7[%add3A_129, %dma_wait3A_130] : memref<81x128xi32, #tpu.memory_space<vmem>> -> memref<1x128xi32, #tpu.memory_space<vmem>>
      %dma_wait3A_132 = tpu.memref_squeeze %dma_wait3A_131 : memref<1x128xi32, #tpu.memory_space<vmem>> -> memref<128xi32, #tpu.memory_space<vmem>>
      %dma_wait3A_133 = arith.constant 0 : i32
      %dma_wait3A_134 = arith.constant 0 : i32
      %dma_wait3A_135 = tpu.memref_slice %arg18[%dma_wait3A_133, %dma_wait3A_134] : memref<10112x64xf32, #tpu.memory_space<vmem_shared>> -> memref<10112x64xf32, #tpu.memory_space<vmem_shared>>
      tpu.wait_indirect_dma semaphore(%arg13 : memref<!tpu.dma_semaphore, #tpu.memory_space<semaphore_mem>>) src(%dma_wait3A_135 : memref<10112x64xf32, #tpu.memory_space<vmem_shared>>) dst(%arg10 : memref<128x64xf32, #tpu.memory_space<vmem>>)
      %dma_start3A_136 = arith.constant 0 : i32
      %dma_start3A_137 = tpu.memref_slice %arg8[%add3A_129, %dma_start3A_136] : memref<81x128xi32, #tpu.memory_space<vmem>> -> memref<1x128xi32, #tpu.memory_space<vmem>>
      %dma_start3A_138 = tpu.memref_squeeze %dma_start3A_137 : memref<1x128xi32, #tpu.memory_space<vmem>> -> memref<128xi32, #tpu.memory_space<vmem>>
      %dma_start3A_139 = arith.constant 0 : i32
      %dma_start3A_140 = arith.constant 0 : i32
      %dma_start3A_141 = tpu.memref_slice %arg19[%dma_start3A_139, %dma_start3A_140] : memref<10112x64xf32, #tpu.memory_space<vmem_shared>> -> memref<10112x64xf32, #tpu.memory_space<vmem_shared>>
      tpu.enqueue_indirect_dma source(%arg10 : memref<128x64xf32, #tpu.memory_space<vmem>>) target(%dma_start3A_141 : memref<10112x64xf32, #tpu.memory_space<vmem_shared>>) offsets(%dma_start3A_138 : memref<128xi32, #tpu.memory_space<vmem>>) semaphore(%arg16 : memref<!tpu.dma_semaphore, #tpu.memory_space<semaphore_mem>>) {add = true}
      %ge3A_142 = arith.constant 1 : i32
      %ge3A_143 = arith.cmpi sge, %add3A_129, %ge3A_142 : i32
      %add3A_144 = arith.constant 2 : i32
      %add3A_145 = arith.addi %add3A_129, %add3A_144 : i32
      %lt3A_146 = arith.constant 81 : i32
      %lt3A_147 = arith.cmpi slt, %add3A_145, %lt3A_146 : i32
      %and3A_148 = arith.andi %ge3A_143, %lt3A_147 : i1
      %convert_element_type3A_149 = arith.extui %and3A_148 : i1 to i32
      %cond3A_150 = arith.constant 0 : i32
      %cond3A_151 = arith.cmpi ne, %convert_element_type3A_149, %cond3A_150 : i32
      scf.if %cond3A_151 {
        %sub3A = arith.constant 1 : i32
        %sub3A_178 = arith.subi %add3A_129, %sub3A : i32
        %dma_wait3A_179 = arith.constant 0 : i32
        %dma_wait3A_180 = tpu.memref_slice %arg8[%sub3A_178, %dma_wait3A_179] : memref<81x128xi32, #tpu.memory_space<vmem>> -> memref<1x128xi32, #tpu.memory_space<vmem>>
        %dma_wait3A_181 = tpu.memref_squeeze %dma_wait3A_180 : memref<1x128xi32, #tpu.memory_space<vmem>> -> memref<128xi32, #tpu.memory_space<vmem>>
        %dma_wait3A_182 = arith.constant 0 : i32
        %dma_wait3A_183 = arith.constant 0 : i32
        %dma_wait3A_184 = tpu.memref_slice %arg19[%dma_wait3A_182, %dma_wait3A_183] : memref<10112x64xf32, #tpu.memory_space<vmem_shared>> -> memref<10112x64xf32, #tpu.memory_space<vmem_shared>>
        tpu.wait_indirect_dma semaphore(%arg15 : memref<!tpu.dma_semaphore, #tpu.memory_space<semaphore_mem>>) src(%arg9 : memref<128x64xf32, #tpu.memory_space<vmem>>) dst(%dma_wait3A_184 : memref<10112x64xf32, #tpu.memory_space<vmem_shared>>)
        %add3A_185 = arith.constant 2 : i32
        %add3A_186 = arith.addi %add3A_129, %add3A_185 : i32
        %dma_start3A_187 = arith.constant 0 : i32
        %dma_start3A_188 = tpu.memref_slice %arg7[%add3A_186, %dma_start3A_187] : memref<81x128xi32, #tpu.memory_space<vmem>> -> memref<1x128xi32, #tpu.memory_space<vmem>>
        %dma_start3A_189 = tpu.memref_squeeze %dma_start3A_188 : memref<1x128xi32, #tpu.memory_space<vmem>> -> memref<128xi32, #tpu.memory_space<vmem>>
        %dma_start3A_190 = arith.constant 0 : i32
        %dma_start3A_191 = arith.constant 0 : i32
        %dma_start3A_192 = tpu.memref_slice %arg18[%dma_start3A_190, %dma_start3A_191] : memref<10112x64xf32, #tpu.memory_space<vmem_shared>> -> memref<10112x64xf32, #tpu.memory_space<vmem_shared>>
        tpu.enqueue_indirect_dma source(%dma_start3A_192 : memref<10112x64xf32, #tpu.memory_space<vmem_shared>>) target(%arg9 : memref<128x64xf32, #tpu.memory_space<vmem>>) offsets(%dma_start3A_189 : memref<128xi32, #tpu.memory_space<vmem>>) semaphore(%arg12 : memref<!tpu.dma_semaphore, #tpu.memory_space<semaphore_mem>>)
      } else {
      }
      %mul3A_152 = arith.constant 3 : i32
      %mul3A_153 = arith.muli %scan3A_105, %mul3A_152 : i32
      %add3A_154 = arith.constant 2 : i32
      %add3A_155 = arith.addi %mul3A_153, %add3A_154 : i32
      %dma_wait3A_156 = arith.constant 0 : i32
      %dma_wait3A_157 = tpu.memref_slice %arg7[%add3A_155, %dma_wait3A_156] : memref<81x128xi32, #tpu.memory_space<vmem>> -> memref<1x128xi32, #tpu.memory_space<vmem>>
      %dma_wait3A_158 = tpu.memref_squeeze %dma_wait3A_157 : memref<1x128xi32, #tpu.memory_space<vmem>> -> memref<128xi32, #tpu.memory_space<vmem>>
      %dma_wait3A_159 = arith.constant 0 : i32
      %dma_wait3A_160 = arith.constant 0 : i32
      %dma_wait3A_161 = tpu.memref_slice %arg18[%dma_wait3A_159, %dma_wait3A_160] : memref<10112x64xf32, #tpu.memory_space<vmem_shared>> -> memref<10112x64xf32, #tpu.memory_space<vmem_shared>>
      tpu.wait_indirect_dma semaphore(%arg14 : memref<!tpu.dma_semaphore, #tpu.memory_space<semaphore_mem>>) src(%dma_wait3A_161 : memref<10112x64xf32, #tpu.memory_space<vmem_shared>>) dst(%arg11 : memref<128x64xf32, #tpu.memory_space<vmem>>)
      %dma_start3A_162 = arith.constant 0 : i32
      %dma_start3A_163 = tpu.memref_slice %arg8[%add3A_155, %dma_start3A_162] : memref<81x128xi32, #tpu.memory_space<vmem>> -> memref<1x128xi32, #tpu.memory_space<vmem>>
      %dma_start3A_164 = tpu.memref_squeeze %dma_start3A_163 : memref<1x128xi32, #tpu.memory_space<vmem>> -> memref<128xi32, #tpu.memory_space<vmem>>
      %dma_start3A_165 = arith.constant 0 : i32
      %dma_start3A_166 = arith.constant 0 : i32
      %dma_start3A_167 = tpu.memref_slice %arg19[%dma_start3A_165, %dma_start3A_166] : memref<10112x64xf32, #tpu.memory_space<vmem_shared>> -> memref<10112x64xf32, #tpu.memory_space<vmem_shared>>
      tpu.enqueue_indirect_dma source(%arg11 : memref<128x64xf32, #tpu.memory_space<vmem>>) target(%dma_start3A_167 : memref<10112x64xf32, #tpu.memory_space<vmem_shared>>) offsets(%dma_start3A_164 : memref<128xi32, #tpu.memory_space<vmem>>) semaphore(%arg17 : memref<!tpu.dma_semaphore, #tpu.memory_space<semaphore_mem>>) {add = true}
      %ge3A_168 = arith.constant 1 : i32
      %ge3A_169 = arith.cmpi sge, %add3A_155, %ge3A_168 : i32
      %add3A_170 = arith.constant 2 : i32
      %add3A_171 = arith.addi %add3A_155, %add3A_170 : i32
      %lt3A_172 = arith.constant 81 : i32
      %lt3A_173 = arith.cmpi slt, %add3A_171, %lt3A_172 : i32
      %and3A_174 = arith.andi %ge3A_169, %lt3A_173 : i1
      %convert_element_type3A_175 = arith.extui %and3A_174 : i1 to i32
      %cond3A_176 = arith.constant 0 : i32
      %cond3A_177 = arith.cmpi ne, %convert_element_type3A_175, %cond3A_176 : i32
      scf.if %cond3A_177 {
        %sub3A = arith.constant 1 : i32
        %sub3A_178 = arith.subi %add3A_155, %sub3A : i32
        %dma_wait3A_179 = arith.constant 0 : i32
        %dma_wait3A_180 = tpu.memref_slice %arg8[%sub3A_178, %dma_wait3A_179] : memref<81x128xi32, #tpu.memory_space<vmem>> -> memref<1x128xi32, #tpu.memory_space<vmem>>
        %dma_wait3A_181 = tpu.memref_squeeze %dma_wait3A_180 : memref<1x128xi32, #tpu.memory_space<vmem>> -> memref<128xi32, #tpu.memory_space<vmem>>
        %dma_wait3A_182 = arith.constant 0 : i32
        %dma_wait3A_183 = arith.constant 0 : i32
        %dma_wait3A_184 = tpu.memref_slice %arg19[%dma_wait3A_182, %dma_wait3A_183] : memref<10112x64xf32, #tpu.memory_space<vmem_shared>> -> memref<10112x64xf32, #tpu.memory_space<vmem_shared>>
        tpu.wait_indirect_dma semaphore(%arg16 : memref<!tpu.dma_semaphore, #tpu.memory_space<semaphore_mem>>) src(%arg10 : memref<128x64xf32, #tpu.memory_space<vmem>>) dst(%dma_wait3A_184 : memref<10112x64xf32, #tpu.memory_space<vmem_shared>>)
        %add3A_185 = arith.constant 2 : i32
        %add3A_186 = arith.addi %add3A_155, %add3A_185 : i32
        %dma_start3A_187 = arith.constant 0 : i32
        %dma_start3A_188 = tpu.memref_slice %arg7[%add3A_186, %dma_start3A_187] : memref<81x128xi32, #tpu.memory_space<vmem>> -> memref<1x128xi32, #tpu.memory_space<vmem>>
        %dma_start3A_189 = tpu.memref_squeeze %dma_start3A_188 : memref<1x128xi32, #tpu.memory_space<vmem>> -> memref<128xi32, #tpu.memory_space<vmem>>
        %dma_start3A_190 = arith.constant 0 : i32
        %dma_start3A_191 = arith.constant 0 : i32
        %dma_start3A_192 = tpu.memref_slice %arg18[%dma_start3A_190, %dma_start3A_191] : memref<10112x64xf32, #tpu.memory_space<vmem_shared>> -> memref<10112x64xf32, #tpu.memory_space<vmem_shared>>
        tpu.enqueue_indirect_dma source(%dma_start3A_192 : memref<10112x64xf32, #tpu.memory_space<vmem_shared>>) target(%arg10 : memref<128x64xf32, #tpu.memory_space<vmem>>) offsets(%dma_start3A_189 : memref<128xi32, #tpu.memory_space<vmem>>) semaphore(%arg13 : memref<!tpu.dma_semaphore, #tpu.memory_space<semaphore_mem>>)
      } else {
      }
    }
    %scan3A_31 = arith.constant 27 : i32
    %dma_wait3A = arith.constant 78 : i32
    %dma_wait3A_32 = arith.constant 0 : i32
    %dma_wait3A_33 = tpu.memref_slice %arg8[%dma_wait3A, %dma_wait3A_32] : memref<81x128xi32, #tpu.memory_space<vmem>> -> memref<1x128xi32, #tpu.memory_space<vmem>>
    %dma_wait3A_34 = tpu.memref_squeeze %dma_wait3A_33 : memref<1x128xi32, #tpu.memory_space<vmem>> -> memref<128xi32, #tpu.memory_space<vmem>>
    %dma_wait3A_35 = arith.constant 0 : i32
    %dma_wait3A_36 = arith.constant 0 : i32
    %dma_wait3A_37 = tpu.memref_slice %arg19[%dma_wait3A_35, %dma_wait3A_36] : memref<10112x64xf32, #tpu.memory_space<vmem_shared>> -> memref<10112x64xf32, #tpu.memory_space<vmem_shared>>
    tpu.wait_indirect_dma semaphore(%arg15 : memref<!tpu.dma_semaphore, #tpu.memory_space<semaphore_mem>>) src(%arg9 : memref<128x64xf32, #tpu.memory_space<vmem>>) dst(%dma_wait3A_37 : memref<10112x64xf32, #tpu.memory_space<vmem_shared>>)
    %dma_wait3A_38 = arith.constant 79 : i32
    %dma_wait3A_39 = arith.constant 0 : i32
    %dma_wait3A_40 = tpu.memref_slice %arg8[%dma_wait3A_38, %dma_wait3A_39] : memref<81x128xi32, #tpu.memory_space<vmem>> -> memref<1x128xi32, #tpu.memory_space<vmem>>
    %dma_wait3A_41 = tpu.memref_squeeze %dma_wait3A_40 : memref<1x128xi32, #tpu.memory_space<vmem>> -> memref<128xi32, #tpu.memory_space<vmem>>
    %dma_wait3A_42 = arith.constant 0 : i32
    %dma_wait3A_43 = arith.constant 0 : i32
    %dma_wait3A_44 = tpu.memref_slice %arg19[%dma_wait3A_42, %dma_wait3A_43] : memref<10112x64xf32, #tpu.memory_space<vmem_shared>> -> memref<10112x64xf32, #tpu.memory_space<vmem_shared>>
    tpu.wait_indirect_dma semaphore(%arg16 : memref<!tpu.dma_semaphore, #tpu.memory_space<semaphore_mem>>) src(%arg10 : memref<128x64xf32, #tpu.memory_space<vmem>>) dst(%dma_wait3A_44 : memref<10112x64xf32, #tpu.memory_space<vmem_shared>>)
    %dma_wait3A_45 = arith.constant 80 : i32
    %dma_wait3A_46 = arith.constant 0 : i32
    %dma_wait3A_47 = tpu.memref_slice %arg8[%dma_wait3A_45, %dma_wait3A_46] : memref<81x128xi32, #tpu.memory_space<vmem>> -> memref<1x128xi32, #tpu.memory_space<vmem>>
    %dma_wait3A_48 = tpu.memref_squeeze %dma_wait3A_47 : memref<1x128xi32, #tpu.memory_space<vmem>> -> memref<128xi32, #tpu.memory_space<vmem>>
    %dma_wait3A_49 = arith.constant 0 : i32
    %dma_wait3A_50 = arith.constant 0 : i32
    %dma_wait3A_51 = tpu.memref_slice %arg19[%dma_wait3A_49, %dma_wait3A_50] : memref<10112x64xf32, #tpu.memory_space<vmem_shared>> -> memref<10112x64xf32, #tpu.memory_space<vmem_shared>>
    tpu.wait_indirect_dma semaphore(%arg17 : memref<!tpu.dma_semaphore, #tpu.memory_space<semaphore_mem>>) src(%arg11 : memref<128x64xf32, #tpu.memory_space<vmem>>) dst(%dma_wait3A_51 : memref<10112x64xf32, #tpu.memory_space<vmem_shared>>)
    "tpu.region"() ({
      %run_scoped3A = tpu.sem_alloc : memref<!tpu.dma_semaphore, #tpu.memory_space<semaphore_mem>>
      %dma_start3A_105 = arith.constant 81 : i32
      %dma_start3A_106 = arith.constant 0 : i32
      %dma_start3A_107 = tpu.memref_slice %arg3[%arg1, %dma_start3A_105, %dma_start3A_106] : memref<16x162x128xi32, #tpu.memory_space<hbm>> -> memref<1x81x128xi32, #tpu.memory_space<hbm>>
      %dma_start3A_108 = tpu.memref_squeeze %dma_start3A_107 : memref<1x81x128xi32, #tpu.memory_space<hbm>> -> memref<81x128xi32, #tpu.memory_space<hbm>>
      %dma_start3A_109 = arith.constant 81 : i32
      %dma_start3A_110 = arith.constant 0 : i32
      %dma_start3A_111 = tpu.memref_slice %arg3[%arg1, %dma_start3A_109, %dma_start3A_110] : memref<16x162x128xi32, #tpu.memory_space<hbm>> -> memref<1x81x128xi32, #tpu.memory_space<hbm>>
      %dma_start3A_112 = tpu.memref_squeeze %dma_start3A_111 : memref<1x81x128xi32, #tpu.memory_space<hbm>> -> memref<81x128xi32, #tpu.memory_space<hbm>>
      tpu.enqueue_dma source(%dma_start3A_112 : memref<81x128xi32, #tpu.memory_space<hbm>>) target(%arg7 : memref<81x128xi32, #tpu.memory_space<vmem>>) target_semaphore(%run_scoped3A : memref<!tpu.dma_semaphore, #tpu.memory_space<semaphore_mem>>)
      %dma_wait3A_113 = arith.constant 81 : i32
      %dma_wait3A_114 = arith.constant 0 : i32
      %dma_wait3A_115 = tpu.memref_slice %arg3[%arg1, %dma_wait3A_113, %dma_wait3A_114] : memref<16x162x128xi32, #tpu.memory_space<hbm>> -> memref<1x81x128xi32, #tpu.memory_space<hbm>>
      %dma_wait3A_116 = tpu.memref_squeeze %dma_wait3A_115 : memref<1x81x128xi32, #tpu.memory_space<hbm>> -> memref<81x128xi32, #tpu.memory_space<hbm>>
      %dma_wait3A_117 = arith.constant 81 : i32
      %dma_wait3A_118 = arith.constant 0 : i32
      %dma_wait3A_119 = tpu.memref_slice %arg3[%arg1, %dma_wait3A_117, %dma_wait3A_118] : memref<16x162x128xi32, #tpu.memory_space<hbm>> -> memref<1x81x128xi32, #tpu.memory_space<hbm>>
      %dma_wait3A_120 = tpu.memref_squeeze %dma_wait3A_119 : memref<1x81x128xi32, #tpu.memory_space<hbm>> -> memref<81x128xi32, #tpu.memory_space<hbm>>
      tpu.wait_dma2 semaphore(%run_scoped3A : memref<!tpu.dma_semaphore, #tpu.memory_space<semaphore_mem>>) src(%dma_wait3A_120 : memref<81x128xi32, #tpu.memory_space<hbm>>) dst(%arg7 : memref<81x128xi32, #tpu.memory_space<vmem>>)
      tpu.yield
    }) : () -> ()
    "tpu.region"() ({
      %run_scoped3A = tpu.sem_alloc : memref<!tpu.dma_semaphore, #tpu.memory_space<semaphore_mem>>
      %dma_start3A_105 = arith.constant 81 : i32
      %dma_start3A_106 = arith.constant 0 : i32
      %dma_start3A_107 = tpu.memref_slice %arg4[%arg1, %dma_start3A_105, %dma_start3A_106] : memref<16x162x128xi32, #tpu.memory_space<hbm>> -> memref<1x81x128xi32, #tpu.memory_space<hbm>>
      %dma_start3A_108 = tpu.memref_squeeze %dma_start3A_107 : memref<1x81x128xi32, #tpu.memory_space<hbm>> -> memref<81x128xi32, #tpu.memory_space<hbm>>
      %dma_start3A_109 = arith.constant 81 : i32
      %dma_start3A_110 = arith.constant 0 : i32
      %dma_start3A_111 = tpu.memref_slice %arg4[%arg1, %dma_start3A_109, %dma_start3A_110] : memref<16x162x128xi32, #tpu.memory_space<hbm>> -> memref<1x81x128xi32, #tpu.memory_space<hbm>>
      %dma_start3A_112 = tpu.memref_squeeze %dma_start3A_111 : memref<1x81x128xi32, #tpu.memory_space<hbm>> -> memref<81x128xi32, #tpu.memory_space<hbm>>
      tpu.enqueue_dma source(%dma_start3A_112 : memref<81x128xi32, #tpu.memory_space<hbm>>) target(%arg8 : memref<81x128xi32, #tpu.memory_space<vmem>>) target_semaphore(%run_scoped3A : memref<!tpu.dma_semaphore, #tpu.memory_space<semaphore_mem>>)
      %dma_wait3A_113 = arith.constant 81 : i32
      %dma_wait3A_114 = arith.constant 0 : i32
      %dma_wait3A_115 = tpu.memref_slice %arg4[%arg1, %dma_wait3A_113, %dma_wait3A_114] : memref<16x162x128xi32, #tpu.memory_space<hbm>> -> memref<1x81x128xi32, #tpu.memory_space<hbm>>
      %dma_wait3A_116 = tpu.memref_squeeze %dma_wait3A_115 : memref<1x81x128xi32, #tpu.memory_space<hbm>> -> memref<81x128xi32, #tpu.memory_space<hbm>>
      %dma_wait3A_117 = arith.constant 81 : i32
      %dma_wait3A_118 = arith.constant 0 : i32
      %dma_wait3A_119 = tpu.memref_slice %arg4[%arg1, %dma_wait3A_117, %dma_wait3A_118] : memref<16x162x128xi32, #tpu.memory_space<hbm>> -> memref<1x81x128xi32, #tpu.memory_space<hbm>>
      %dma_wait3A_120 = tpu.memref_squeeze %dma_wait3A_119 : memref<1x81x128xi32, #tpu.memory_space<hbm>> -> memref<81x128xi32, #tpu.memory_space<hbm>>
      tpu.wait_dma2 semaphore(%run_scoped3A : memref<!tpu.dma_semaphore, #tpu.memory_space<semaphore_mem>>) src(%dma_wait3A_120 : memref<81x128xi32, #tpu.memory_space<hbm>>) dst(%arg8 : memref<81x128xi32, #tpu.memory_space<vmem>>)
      tpu.yield
    }) : () -> ()
    %dma_start3A_52 = arith.constant 0 : i32
    %dma_start3A_53 = arith.constant 0 : i32
    %dma_start3A_54 = tpu.memref_slice %arg7[%dma_start3A_52, %dma_start3A_53] : memref<81x128xi32, #tpu.memory_space<vmem>> -> memref<1x128xi32, #tpu.memory_space<vmem>>
    %dma_start3A_55 = tpu.memref_squeeze %dma_start3A_54 : memref<1x128xi32, #tpu.memory_space<vmem>> -> memref<128xi32, #tpu.memory_space<vmem>>
    %dma_start3A_56 = arith.constant 0 : i32
    %dma_start3A_57 = arith.constant 0 : i32
    %dma_start3A_58 = tpu.memref_slice %arg18[%dma_start3A_56, %dma_start3A_57] : memref<10112x64xf32, #tpu.memory_space<vmem_shared>> -> memref<10112x64xf32, #tpu.memory_space<vmem_shared>>
    tpu.enqueue_indirect_dma source(%dma_start3A_58 : memref<10112x64xf32, #tpu.memory_space<vmem_shared>>) target(%arg9 : memref<128x64xf32, #tpu.memory_space<vmem>>) offsets(%dma_start3A_55 : memref<128xi32, #tpu.memory_space<vmem>>) semaphore(%arg12 : memref<!tpu.dma_semaphore, #tpu.memory_space<semaphore_mem>>)
    %dma_start3A_59 = arith.constant 1 : i32
    %dma_start3A_60 = arith.constant 0 : i32
    %dma_start3A_61 = tpu.memref_slice %arg7[%dma_start3A_59, %dma_start3A_60] : memref<81x128xi32, #tpu.memory_space<vmem>> -> memref<1x128xi32, #tpu.memory_space<vmem>>
    %dma_start3A_62 = tpu.memref_squeeze %dma_start3A_61 : memref<1x128xi32, #tpu.memory_space<vmem>> -> memref<128xi32, #tpu.memory_space<vmem>>
    %dma_start3A_63 = arith.constant 0 : i32
    %dma_start3A_64 = arith.constant 0 : i32
    %dma_start3A_65 = tpu.memref_slice %arg18[%dma_start3A_63, %dma_start3A_64] : memref<10112x64xf32, #tpu.memory_space<vmem_shared>> -> memref<10112x64xf32, #tpu.memory_space<vmem_shared>>
    tpu.enqueue_indirect_dma source(%dma_start3A_65 : memref<10112x64xf32, #tpu.memory_space<vmem_shared>>) target(%arg10 : memref<128x64xf32, #tpu.memory_space<vmem>>) offsets(%dma_start3A_62 : memref<128xi32, #tpu.memory_space<vmem>>) semaphore(%arg13 : memref<!tpu.dma_semaphore, #tpu.memory_space<semaphore_mem>>)
    %dma_start3A_66 = arith.constant 2 : i32
    %dma_start3A_67 = arith.constant 0 : i32
    %dma_start3A_68 = tpu.memref_slice %arg7[%dma_start3A_66, %dma_start3A_67] : memref<81x128xi32, #tpu.memory_space<vmem>> -> memref<1x128xi32, #tpu.memory_space<vmem>>
    %dma_start3A_69 = tpu.memref_squeeze %dma_start3A_68 : memref<1x128xi32, #tpu.memory_space<vmem>> -> memref<128xi32, #tpu.memory_space<vmem>>
    %dma_start3A_70 = arith.constant 0 : i32
    %dma_start3A_71 = arith.constant 0 : i32
    %dma_start3A_72 = tpu.memref_slice %arg18[%dma_start3A_70, %dma_start3A_71] : memref<10112x64xf32, #tpu.memory_space<vmem_shared>> -> memref<10112x64xf32, #tpu.memory_space<vmem_shared>>
    tpu.enqueue_indirect_dma source(%dma_start3A_72 : memref<10112x64xf32, #tpu.memory_space<vmem_shared>>) target(%arg11 : memref<128x64xf32, #tpu.memory_space<vmem>>) offsets(%dma_start3A_69 : memref<128xi32, #tpu.memory_space<vmem>>) semaphore(%arg14 : memref<!tpu.dma_semaphore, #tpu.memory_space<semaphore_mem>>)
    %scan3A_73 = arith.constant 0 : i32
    %scan3A_74 = arith.constant 0 : i32
    %scan3A_75 = arith.constant 27 : i32
    %scan3A_76 = arith.addi %scan3A_74, %scan3A_75 : i32
    %scan3A_77 = arith.constant 1 : i32
    scf.for %scan3A_105 = %scan3A_74 to %scan3A_76 step %scan3A_77  : i32 {
      %mul3A_106 = arith.constant 3 : i32
      %mul3A_107 = arith.muli %scan3A_105, %mul3A_106 : i32
      %add3A = arith.constant 0 : i32
      %add3A_108 = arith.addi %mul3A_107, %add3A : i32
      %dma_wait3A_109 = arith.constant 0 : i32
      %dma_wait3A_110 = tpu.memref_slice %arg7[%add3A_108, %dma_wait3A_109] : memref<81x128xi32, #tpu.memory_space<vmem>> -> memref<1x128xi32, #tpu.memory_space<vmem>>
      %dma_wait3A_111 = tpu.memref_squeeze %dma_wait3A_110 : memref<1x128xi32, #tpu.memory_space<vmem>> -> memref<128xi32, #tpu.memory_space<vmem>>
      %dma_wait3A_112 = arith.constant 0 : i32
      %dma_wait3A_113 = arith.constant 0 : i32
      %dma_wait3A_114 = tpu.memref_slice %arg18[%dma_wait3A_112, %dma_wait3A_113] : memref<10112x64xf32, #tpu.memory_space<vmem_shared>> -> memref<10112x64xf32, #tpu.memory_space<vmem_shared>>
      tpu.wait_indirect_dma semaphore(%arg12 : memref<!tpu.dma_semaphore, #tpu.memory_space<semaphore_mem>>) src(%dma_wait3A_114 : memref<10112x64xf32, #tpu.memory_space<vmem_shared>>) dst(%arg9 : memref<128x64xf32, #tpu.memory_space<vmem>>)
      %dma_start3A_115 = arith.constant 0 : i32
      %dma_start3A_116 = tpu.memref_slice %arg8[%add3A_108, %dma_start3A_115] : memref<81x128xi32, #tpu.memory_space<vmem>> -> memref<1x128xi32, #tpu.memory_space<vmem>>
      %dma_start3A_117 = tpu.memref_squeeze %dma_start3A_116 : memref<1x128xi32, #tpu.memory_space<vmem>> -> memref<128xi32, #tpu.memory_space<vmem>>
      %dma_start3A_118 = arith.constant 0 : i32
      %dma_start3A_119 = arith.constant 0 : i32
      %dma_start3A_120 = tpu.memref_slice %arg19[%dma_start3A_118, %dma_start3A_119] : memref<10112x64xf32, #tpu.memory_space<vmem_shared>> -> memref<10112x64xf32, #tpu.memory_space<vmem_shared>>
      tpu.enqueue_indirect_dma source(%arg9 : memref<128x64xf32, #tpu.memory_space<vmem>>) target(%dma_start3A_120 : memref<10112x64xf32, #tpu.memory_space<vmem_shared>>) offsets(%dma_start3A_117 : memref<128xi32, #tpu.memory_space<vmem>>) semaphore(%arg15 : memref<!tpu.dma_semaphore, #tpu.memory_space<semaphore_mem>>) {add = true}
      %ge3A = arith.constant 1 : i32
      %ge3A_121 = arith.cmpi sge, %add3A_108, %ge3A : i32
      %add3A_122 = arith.constant 2 : i32
      %add3A_123 = arith.addi %add3A_108, %add3A_122 : i32
      %lt3A = arith.constant 81 : i32
      %lt3A_124 = arith.cmpi slt, %add3A_123, %lt3A : i32
      %and3A = arith.andi %ge3A_121, %lt3A_124 : i1
      %convert_element_type3A = arith.extui %and3A : i1 to i32
      %cond3A = arith.constant 0 : i32
      %cond3A_125 = arith.cmpi ne, %convert_element_type3A, %cond3A : i32
      scf.if %cond3A_125 {
        %sub3A = arith.constant 1 : i32
        %sub3A_178 = arith.subi %add3A_108, %sub3A : i32
        %dma_wait3A_179 = arith.constant 0 : i32
        %dma_wait3A_180 = tpu.memref_slice %arg8[%sub3A_178, %dma_wait3A_179] : memref<81x128xi32, #tpu.memory_space<vmem>> -> memref<1x128xi32, #tpu.memory_space<vmem>>
        %dma_wait3A_181 = tpu.memref_squeeze %dma_wait3A_180 : memref<1x128xi32, #tpu.memory_space<vmem>> -> memref<128xi32, #tpu.memory_space<vmem>>
        %dma_wait3A_182 = arith.constant 0 : i32
        %dma_wait3A_183 = arith.constant 0 : i32
        %dma_wait3A_184 = tpu.memref_slice %arg19[%dma_wait3A_182, %dma_wait3A_183] : memref<10112x64xf32, #tpu.memory_space<vmem_shared>> -> memref<10112x64xf32, #tpu.memory_space<vmem_shared>>
        tpu.wait_indirect_dma semaphore(%arg17 : memref<!tpu.dma_semaphore, #tpu.memory_space<semaphore_mem>>) src(%arg11 : memref<128x64xf32, #tpu.memory_space<vmem>>) dst(%dma_wait3A_184 : memref<10112x64xf32, #tpu.memory_space<vmem_shared>>)
        %add3A_185 = arith.constant 2 : i32
        %add3A_186 = arith.addi %add3A_108, %add3A_185 : i32
        %dma_start3A_187 = arith.constant 0 : i32
        %dma_start3A_188 = tpu.memref_slice %arg7[%add3A_186, %dma_start3A_187] : memref<81x128xi32, #tpu.memory_space<vmem>> -> memref<1x128xi32, #tpu.memory_space<vmem>>
        %dma_start3A_189 = tpu.memref_squeeze %dma_start3A_188 : memref<1x128xi32, #tpu.memory_space<vmem>> -> memref<128xi32, #tpu.memory_space<vmem>>
        %dma_start3A_190 = arith.constant 0 : i32
        %dma_start3A_191 = arith.constant 0 : i32
        %dma_start3A_192 = tpu.memref_slice %arg18[%dma_start3A_190, %dma_start3A_191] : memref<10112x64xf32, #tpu.memory_space<vmem_shared>> -> memref<10112x64xf32, #tpu.memory_space<vmem_shared>>
        tpu.enqueue_indirect_dma source(%dma_start3A_192 : memref<10112x64xf32, #tpu.memory_space<vmem_shared>>) target(%arg11 : memref<128x64xf32, #tpu.memory_space<vmem>>) offsets(%dma_start3A_189 : memref<128xi32, #tpu.memory_space<vmem>>) semaphore(%arg14 : memref<!tpu.dma_semaphore, #tpu.memory_space<semaphore_mem>>)
      } else {
      }
      %mul3A_126 = arith.constant 3 : i32
      %mul3A_127 = arith.muli %scan3A_105, %mul3A_126 : i32
      %add3A_128 = arith.constant 1 : i32
      %add3A_129 = arith.addi %mul3A_127, %add3A_128 : i32
      %dma_wait3A_130 = arith.constant 0 : i32
      %dma_wait3A_131 = tpu.memref_slice %arg7[%add3A_129, %dma_wait3A_130] : memref<81x128xi32, #tpu.memory_space<vmem>> -> memref<1x128xi32, #tpu.memory_space<vmem>>
      %dma_wait3A_132 = tpu.memref_squeeze %dma_wait3A_131 : memref<1x128xi32, #tpu.memory_space<vmem>> -> memref<128xi32, #tpu.memory_space<vmem>>
      %dma_wait3A_133 = arith.constant 0 : i32
      %dma_wait3A_134 = arith.constant 0 : i32
      %dma_wait3A_135 = tpu.memref_slice %arg18[%dma_wait3A_133, %dma_wait3A_134] : memref<10112x64xf32, #tpu.memory_space<vmem_shared>> -> memref<10112x64xf32, #tpu.memory_space<vmem_shared>>
      tpu.wait_indirect_dma semaphore(%arg13 : memref<!tpu.dma_semaphore, #tpu.memory_space<semaphore_mem>>) src(%dma_wait3A_135 : memref<10112x64xf32, #tpu.memory_space<vmem_shared>>) dst(%arg10 : memref<128x64xf32, #tpu.memory_space<vmem>>)
      %dma_start3A_136 = arith.constant 0 : i32
      %dma_start3A_137 = tpu.memref_slice %arg8[%add3A_129, %dma_start3A_136] : memref<81x128xi32, #tpu.memory_space<vmem>> -> memref<1x128xi32, #tpu.memory_space<vmem>>
      %dma_start3A_138 = tpu.memref_squeeze %dma_start3A_137 : memref<1x128xi32, #tpu.memory_space<vmem>> -> memref<128xi32, #tpu.memory_space<vmem>>
      %dma_start3A_139 = arith.constant 0 : i32
      %dma_start3A_140 = arith.constant 0 : i32
      %dma_start3A_141 = tpu.memref_slice %arg19[%dma_start3A_139, %dma_start3A_140] : memref<10112x64xf32, #tpu.memory_space<vmem_shared>> -> memref<10112x64xf32, #tpu.memory_space<vmem_shared>>
      tpu.enqueue_indirect_dma source(%arg10 : memref<128x64xf32, #tpu.memory_space<vmem>>) target(%dma_start3A_141 : memref<10112x64xf32, #tpu.memory_space<vmem_shared>>) offsets(%dma_start3A_138 : memref<128xi32, #tpu.memory_space<vmem>>) semaphore(%arg16 : memref<!tpu.dma_semaphore, #tpu.memory_space<semaphore_mem>>) {add = true}
      %ge3A_142 = arith.constant 1 : i32
      %ge3A_143 = arith.cmpi sge, %add3A_129, %ge3A_142 : i32
      %add3A_144 = arith.constant 2 : i32
      %add3A_145 = arith.addi %add3A_129, %add3A_144 : i32
      %lt3A_146 = arith.constant 81 : i32
      %lt3A_147 = arith.cmpi slt, %add3A_145, %lt3A_146 : i32
      %and3A_148 = arith.andi %ge3A_143, %lt3A_147 : i1
      %convert_element_type3A_149 = arith.extui %and3A_148 : i1 to i32
      %cond3A_150 = arith.constant 0 : i32
      %cond3A_151 = arith.cmpi ne, %convert_element_type3A_149, %cond3A_150 : i32
      scf.if %cond3A_151 {
        %sub3A = arith.constant 1 : i32
        %sub3A_178 = arith.subi %add3A_129, %sub3A : i32
        %dma_wait3A_179 = arith.constant 0 : i32
        %dma_wait3A_180 = tpu.memref_slice %arg8[%sub3A_178, %dma_wait3A_179] : memref<81x128xi32, #tpu.memory_space<vmem>> -> memref<1x128xi32, #tpu.memory_space<vmem>>
        %dma_wait3A_181 = tpu.memref_squeeze %dma_wait3A_180 : memref<1x128xi32, #tpu.memory_space<vmem>> -> memref<128xi32, #tpu.memory_space<vmem>>
        %dma_wait3A_182 = arith.constant 0 : i32
        %dma_wait3A_183 = arith.constant 0 : i32
        %dma_wait3A_184 = tpu.memref_slice %arg19[%dma_wait3A_182, %dma_wait3A_183] : memref<10112x64xf32, #tpu.memory_space<vmem_shared>> -> memref<10112x64xf32, #tpu.memory_space<vmem_shared>>
        tpu.wait_indirect_dma semaphore(%arg15 : memref<!tpu.dma_semaphore, #tpu.memory_space<semaphore_mem>>) src(%arg9 : memref<128x64xf32, #tpu.memory_space<vmem>>) dst(%dma_wait3A_184 : memref<10112x64xf32, #tpu.memory_space<vmem_shared>>)
        %add3A_185 = arith.constant 2 : i32
        %add3A_186 = arith.addi %add3A_129, %add3A_185 : i32
        %dma_start3A_187 = arith.constant 0 : i32
        %dma_start3A_188 = tpu.memref_slice %arg7[%add3A_186, %dma_start3A_187] : memref<81x128xi32, #tpu.memory_space<vmem>> -> memref<1x128xi32, #tpu.memory_space<vmem>>
        %dma_start3A_189 = tpu.memref_squeeze %dma_start3A_188 : memref<1x128xi32, #tpu.memory_space<vmem>> -> memref<128xi32, #tpu.memory_space<vmem>>
        %dma_start3A_190 = arith.constant 0 : i32
        %dma_start3A_191 = arith.constant 0 : i32
        %dma_start3A_192 = tpu.memref_slice %arg18[%dma_start3A_190, %dma_start3A_191] : memref<10112x64xf32, #tpu.memory_space<vmem_shared>> -> memref<10112x64xf32, #tpu.memory_space<vmem_shared>>
        tpu.enqueue_indirect_dma source(%dma_start3A_192 : memref<10112x64xf32, #tpu.memory_space<vmem_shared>>) target(%arg9 : memref<128x64xf32, #tpu.memory_space<vmem>>) offsets(%dma_start3A_189 : memref<128xi32, #tpu.memory_space<vmem>>) semaphore(%arg12 : memref<!tpu.dma_semaphore, #tpu.memory_space<semaphore_mem>>)
      } else {
      }
      %mul3A_152 = arith.constant 3 : i32
      %mul3A_153 = arith.muli %scan3A_105, %mul3A_152 : i32
      %add3A_154 = arith.constant 2 : i32
      %add3A_155 = arith.addi %mul3A_153, %add3A_154 : i32
      %dma_wait3A_156 = arith.constant 0 : i32
      %dma_wait3A_157 = tpu.memref_slice %arg7[%add3A_155, %dma_wait3A_156] : memref<81x128xi32, #tpu.memory_space<vmem>> -> memref<1x128xi32, #tpu.memory_space<vmem>>
      %dma_wait3A_158 = tpu.memref_squeeze %dma_wait3A_157 : memref<1x128xi32, #tpu.memory_space<vmem>> -> memref<128xi32, #tpu.memory_space<vmem>>
      %dma_wait3A_159 = arith.constant 0 : i32
      %dma_wait3A_160 = arith.constant 0 : i32
      %dma_wait3A_161 = tpu.memref_slice %arg18[%dma_wait3A_159, %dma_wait3A_160] : memref<10112x64xf32, #tpu.memory_space<vmem_shared>> -> memref<10112x64xf32, #tpu.memory_space<vmem_shared>>
      tpu.wait_indirect_dma semaphore(%arg14 : memref<!tpu.dma_semaphore, #tpu.memory_space<semaphore_mem>>) src(%dma_wait3A_161 : memref<10112x64xf32, #tpu.memory_space<vmem_shared>>) dst(%arg11 : memref<128x64xf32, #tpu.memory_space<vmem>>)
      %dma_start3A_162 = arith.constant 0 : i32
      %dma_start3A_163 = tpu.memref_slice %arg8[%add3A_155, %dma_start3A_162] : memref<81x128xi32, #tpu.memory_space<vmem>> -> memref<1x128xi32, #tpu.memory_space<vmem>>
      %dma_start3A_164 = tpu.memref_squeeze %dma_start3A_163 : memref<1x128xi32, #tpu.memory_space<vmem>> -> memref<128xi32, #tpu.memory_space<vmem>>
      %dma_start3A_165 = arith.constant 0 : i32
      %dma_start3A_166 = arith.constant 0 : i32
      %dma_start3A_167 = tpu.memref_slice %arg19[%dma_start3A_165, %dma_start3A_166] : memref<10112x64xf32, #tpu.memory_space<vmem_shared>> -> memref<10112x64xf32, #tpu.memory_space<vmem_shared>>
      tpu.enqueue_indirect_dma source(%arg11 : memref<128x64xf32, #tpu.memory_space<vmem>>) target(%dma_start3A_167 : memref<10112x64xf32, #tpu.memory_space<vmem_shared>>) offsets(%dma_start3A_164 : memref<128xi32, #tpu.memory_space<vmem>>) semaphore(%arg17 : memref<!tpu.dma_semaphore, #tpu.memory_space<semaphore_mem>>) {add = true}
      %ge3A_168 = arith.constant 1 : i32
      %ge3A_169 = arith.cmpi sge, %add3A_155, %ge3A_168 : i32
      %add3A_170 = arith.constant 2 : i32
      %add3A_171 = arith.addi %add3A_155, %add3A_170 : i32
      %lt3A_172 = arith.constant 81 : i32
      %lt3A_173 = arith.cmpi slt, %add3A_171, %lt3A_172 : i32
      %and3A_174 = arith.andi %ge3A_169, %lt3A_173 : i1
      %convert_element_type3A_175 = arith.extui %and3A_174 : i1 to i32
      %cond3A_176 = arith.constant 0 : i32
      %cond3A_177 = arith.cmpi ne, %convert_element_type3A_175, %cond3A_176 : i32
      scf.if %cond3A_177 {
        %sub3A = arith.constant 1 : i32
        %sub3A_178 = arith.subi %add3A_155, %sub3A : i32
        %dma_wait3A_179 = arith.constant 0 : i32
        %dma_wait3A_180 = tpu.memref_slice %arg8[%sub3A_178, %dma_wait3A_179] : memref<81x128xi32, #tpu.memory_space<vmem>> -> memref<1x128xi32, #tpu.memory_space<vmem>>
        %dma_wait3A_181 = tpu.memref_squeeze %dma_wait3A_180 : memref<1x128xi32, #tpu.memory_space<vmem>> -> memref<128xi32, #tpu.memory_space<vmem>>
        %dma_wait3A_182 = arith.constant 0 : i32
        %dma_wait3A_183 = arith.constant 0 : i32
        %dma_wait3A_184 = tpu.memref_slice %arg19[%dma_wait3A_182, %dma_wait3A_183] : memref<10112x64xf32, #tpu.memory_space<vmem_shared>> -> memref<10112x64xf32, #tpu.memory_space<vmem_shared>>
        tpu.wait_indirect_dma semaphore(%arg16 : memref<!tpu.dma_semaphore, #tpu.memory_space<semaphore_mem>>) src(%arg10 : memref<128x64xf32, #tpu.memory_space<vmem>>) dst(%dma_wait3A_184 : memref<10112x64xf32, #tpu.memory_space<vmem_shared>>)
        %add3A_185 = arith.constant 2 : i32
        %add3A_186 = arith.addi %add3A_155, %add3A_185 : i32
        %dma_start3A_187 = arith.constant 0 : i32
        %dma_start3A_188 = tpu.memref_slice %arg7[%add3A_186, %dma_start3A_187] : memref<81x128xi32, #tpu.memory_space<vmem>> -> memref<1x128xi32, #tpu.memory_space<vmem>>
        %dma_start3A_189 = tpu.memref_squeeze %dma_start3A_188 : memref<1x128xi32, #tpu.memory_space<vmem>> -> memref<128xi32, #tpu.memory_space<vmem>>
        %dma_start3A_190 = arith.constant 0 : i32
        %dma_start3A_191 = arith.constant 0 : i32
        %dma_start3A_192 = tpu.memref_slice %arg18[%dma_start3A_190, %dma_start3A_191] : memref<10112x64xf32, #tpu.memory_space<vmem_shared>> -> memref<10112x64xf32, #tpu.memory_space<vmem_shared>>
        tpu.enqueue_indirect_dma source(%dma_start3A_192 : memref<10112x64xf32, #tpu.memory_space<vmem_shared>>) target(%arg10 : memref<128x64xf32, #tpu.memory_space<vmem>>) offsets(%dma_start3A_189 : memref<128xi32, #tpu.memory_space<vmem>>) semaphore(%arg13 : memref<!tpu.dma_semaphore, #tpu.memory_space<semaphore_mem>>)
      } else {
      }
    }
    %scan3A_78 = arith.constant 27 : i32
    %dma_wait3A_79 = arith.constant 78 : i32
    %dma_wait3A_80 = arith.constant 0 : i32
    %dma_wait3A_81 = tpu.memref_slice %arg8[%dma_wait3A_79, %dma_wait3A_80] : memref<81x128xi32, #tpu.memory_space<vmem>> -> memref<1x128xi32, #tpu.memory_space<vmem>>
    %dma_wait3A_82 = tpu.memref_squeeze %dma_wait3A_81 : memref<1x128xi32, #tpu.memory_space<vmem>> -> memref<128xi32, #tpu.memory_space<vmem>>
    %dma_wait3A_83 = arith.constant 0 : i32
    %dma_wait3A_84 = arith.constant 0 : i32
    %dma_wait3A_85 = tpu.memref_slice %arg19[%dma_wait3A_83, %dma_wait3A_84] : memref<10112x64xf32, #tpu.memory_space<vmem_shared>> -> memref<10112x64xf32, #tpu.memory_space<vmem_shared>>
    tpu.wait_indirect_dma semaphore(%arg15 : memref<!tpu.dma_semaphore, #tpu.memory_space<semaphore_mem>>) src(%arg9 : memref<128x64xf32, #tpu.memory_space<vmem>>) dst(%dma_wait3A_85 : memref<10112x64xf32, #tpu.memory_space<vmem_shared>>)
    %dma_wait3A_86 = arith.constant 79 : i32
    %dma_wait3A_87 = arith.constant 0 : i32
    %dma_wait3A_88 = tpu.memref_slice %arg8[%dma_wait3A_86, %dma_wait3A_87] : memref<81x128xi32, #tpu.memory_space<vmem>> -> memref<1x128xi32, #tpu.memory_space<vmem>>
    %dma_wait3A_89 = tpu.memref_squeeze %dma_wait3A_88 : memref<1x128xi32, #tpu.memory_space<vmem>> -> memref<128xi32, #tpu.memory_space<vmem>>
    %dma_wait3A_90 = arith.constant 0 : i32
    %dma_wait3A_91 = arith.constant 0 : i32
    %dma_wait3A_92 = tpu.memref_slice %arg19[%dma_wait3A_90, %dma_wait3A_91] : memref<10112x64xf32, #tpu.memory_space<vmem_shared>> -> memref<10112x64xf32, #tpu.memory_space<vmem_shared>>
    tpu.wait_indirect_dma semaphore(%arg16 : memref<!tpu.dma_semaphore, #tpu.memory_space<semaphore_mem>>) src(%arg10 : memref<128x64xf32, #tpu.memory_space<vmem>>) dst(%dma_wait3A_92 : memref<10112x64xf32, #tpu.memory_space<vmem_shared>>)
    %dma_wait3A_93 = arith.constant 80 : i32
    %dma_wait3A_94 = arith.constant 0 : i32
    %dma_wait3A_95 = tpu.memref_slice %arg8[%dma_wait3A_93, %dma_wait3A_94] : memref<81x128xi32, #tpu.memory_space<vmem>> -> memref<1x128xi32, #tpu.memory_space<vmem>>
    %dma_wait3A_96 = tpu.memref_squeeze %dma_wait3A_95 : memref<1x128xi32, #tpu.memory_space<vmem>> -> memref<128xi32, #tpu.memory_space<vmem>>
    %dma_wait3A_97 = arith.constant 0 : i32
    %dma_wait3A_98 = arith.constant 0 : i32
    %dma_wait3A_99 = tpu.memref_slice %arg19[%dma_wait3A_97, %dma_wait3A_98] : memref<10112x64xf32, #tpu.memory_space<vmem_shared>> -> memref<10112x64xf32, #tpu.memory_space<vmem_shared>>
    tpu.wait_indirect_dma semaphore(%arg17 : memref<!tpu.dma_semaphore, #tpu.memory_space<semaphore_mem>>) src(%arg11 : memref<128x64xf32, #tpu.memory_space<vmem>>) dst(%dma_wait3A_99 : memref<10112x64xf32, #tpu.memory_space<vmem_shared>>)
    %barrier3A_100 = arith.constant 0 : index
    tpu.barrier barrier_id(%barrier3A_100)
    %mul3A_101 = arith.constant 632 : i32
    %mul3A_102 = arith.muli %arg1, %mul3A_101 : i32
    %mul3A_103 = arith.constant 632 : i32
    %mul3A_104 = arith.muli %arg1, %mul3A_103 : i32
    "tpu.region"() ({
      %run_scoped3A = tpu.sem_alloc : memref<!tpu.dma_semaphore, #tpu.memory_space<semaphore_mem>>
      %dma_start3A_105 = arith.constant 0 : i32
      %dma_start3A_106 = tpu.memref_slice %arg6[%arg0, %mul3A_104, %dma_start3A_105] : memref<2x10112x64xf32, #tpu.memory_space<hbm>> -> memref<1x632x64xf32, #tpu.memory_space<hbm>>
      %dma_start3A_107 = tpu.memref_squeeze %dma_start3A_106 : memref<1x632x64xf32, #tpu.memory_space<hbm>> -> memref<632x64xf32, #tpu.memory_space<hbm>>
      %dma_start3A_108 = arith.constant 0 : i32
      %dma_start3A_109 = tpu.memref_slice %arg19[%mul3A_102, %dma_start3A_108] : memref<10112x64xf32, #tpu.memory_space<vmem_shared>> -> memref<632x64xf32, #tpu.memory_space<vmem_shared>>
      tpu.enqueue_dma source(%dma_start3A_109 : memref<632x64xf32, #tpu.memory_space<vmem_shared>>) target(%dma_start3A_107 : memref<632x64xf32, #tpu.memory_space<hbm>>) target_semaphore(%run_scoped3A : memref<!tpu.dma_semaphore, #tpu.memory_space<semaphore_mem>>)
      %dma_wait3A_110 = arith.constant 0 : i32
      %dma_wait3A_111 = tpu.memref_slice %arg6[%arg0, %mul3A_104, %dma_wait3A_110] : memref<2x10112x64xf32, #tpu.memory_space<hbm>> -> memref<1x632x64xf32, #tpu.memory_space<hbm>>
      %dma_wait3A_112 = tpu.memref_squeeze %dma_wait3A_111 : memref<1x632x64xf32, #tpu.memory_space<hbm>> -> memref<632x64xf32, #tpu.memory_space<hbm>>
      %dma_wait3A_113 = arith.constant 0 : i32
      %dma_wait3A_114 = tpu.memref_slice %arg19[%mul3A_102, %dma_wait3A_113] : memref<10112x64xf32, #tpu.memory_space<vmem_shared>> -> memref<632x64xf32, #tpu.memory_space<vmem_shared>>
      tpu.wait_dma2 semaphore(%run_scoped3A : memref<!tpu.dma_semaphore, #tpu.memory_space<semaphore_mem>>) src(%dma_wait3A_114 : memref<632x64xf32, #tpu.memory_space<vmem_shared>>) dst(%dma_wait3A_112 : memref<632x64xf32, #tpu.memory_space<hbm>>)
      tpu.yield
    }) : () -> ()
    return
  }
}

#map = affine_map<(d0, d1) -> (0, 0)>
#map1 = affine_map<(d0, d1) -> (0, 0, 0)>
module attributes {stable_mosaic.version = 14 : i64} {
  func.func @body(%arg0: i32, %arg1: i32, %arg2: memref<10112x64xf32, #tpu.memory_space<hbm>>, %arg3: memref<32x81x128xi32, #tpu.memory_space<hbm>>, %arg4: memref<32x81x128xi32, #tpu.memory_space<hbm>>, %arg5: memref<10112x64xf32, #tpu.memory_space<hbm>>, %arg6: memref<2x10112x64xf32, #tpu.memory_space<hbm>>, %arg7: memref<81x128xi32, #tpu.memory_space<vmem>>, %arg8: memref<81x128xi32, #tpu.memory_space<vmem>>, %arg9: memref<128x64xf32, #tpu.memory_space<vmem>>, %arg10: memref<128x64xf32, #tpu.memory_space<vmem>>, %arg11: memref<128x64xf32, #tpu.memory_space<vmem>>, %arg12: memref<!tpu.dma_semaphore, #tpu.memory_space<semaphore_mem>>, %arg13: memref<!tpu.dma_semaphore, #tpu.memory_space<semaphore_mem>>, %arg14: memref<!tpu.dma_semaphore, #tpu.memory_space<semaphore_mem>>, %arg15: memref<!tpu.dma_semaphore, #tpu.memory_space<semaphore_mem>>, %arg16: memref<!tpu.dma_semaphore, #tpu.memory_space<semaphore_mem>>, %arg17: memref<!tpu.dma_semaphore, #tpu.memory_space<semaphore_mem>>, %arg18: memref<10112x64xf32, #tpu.memory_space<vmem_shared>>, %arg19: memref<10112x64xf32, #tpu.memory_space<vmem_shared>>) attributes {dimension_semantics = [#tpu.dimension_semantics<core_parallel>, #tpu.dimension_semantics<subcore_parallel>], iteration_bounds = array<i64: 2, 16>, scalar_prefetch = 0 : i64, scratch_operands = 13 : i64, tpu.core_type = #tpu.core_type<sc_vector_subcore>, window_params = [{transform_indices = #map}, {transform_indices = #map1}, {transform_indices = #map1}, {transform_indices = #map}, {transform_indices = #map1}]} {
    %mul3A = arith.constant 2 : i32
    %mul3A_0 = arith.muli %arg1, %mul3A : i32
    %add3A = arith.addi %mul3A_0, %arg0 : i32
    "tpu.region"() ({
      %run_scoped3A = tpu.sem_alloc : memref<!tpu.dma_semaphore, #tpu.memory_space<semaphore_mem>>
      %dma_start3A_59 = arith.constant 0 : i32
      %dma_start3A_60 = arith.constant 0 : i32
      %dma_start3A_61 = tpu.memref_slice %arg3[%add3A, %dma_start3A_59, %dma_start3A_60] : memref<32x81x128xi32, #tpu.memory_space<hbm>> -> memref<1x81x128xi32, #tpu.memory_space<hbm>>
      %dma_start3A_62 = tpu.memref_squeeze %dma_start3A_61 : memref<1x81x128xi32, #tpu.memory_space<hbm>> -> memref<81x128xi32, #tpu.memory_space<hbm>>
      %dma_start3A_63 = arith.constant 0 : i32
      %dma_start3A_64 = arith.constant 0 : i32
      %dma_start3A_65 = tpu.memref_slice %arg3[%add3A, %dma_start3A_63, %dma_start3A_64] : memref<32x81x128xi32, #tpu.memory_space<hbm>> -> memref<1x81x128xi32, #tpu.memory_space<hbm>>
      %dma_start3A_66 = tpu.memref_squeeze %dma_start3A_65 : memref<1x81x128xi32, #tpu.memory_space<hbm>> -> memref<81x128xi32, #tpu.memory_space<hbm>>
      tpu.enqueue_dma source(%dma_start3A_66 : memref<81x128xi32, #tpu.memory_space<hbm>>) target(%arg7 : memref<81x128xi32, #tpu.memory_space<vmem>>) target_semaphore(%run_scoped3A : memref<!tpu.dma_semaphore, #tpu.memory_space<semaphore_mem>>)
      %dma_wait3A_67 = arith.constant 0 : i32
      %dma_wait3A_68 = arith.constant 0 : i32
      %dma_wait3A_69 = tpu.memref_slice %arg3[%add3A, %dma_wait3A_67, %dma_wait3A_68] : memref<32x81x128xi32, #tpu.memory_space<hbm>> -> memref<1x81x128xi32, #tpu.memory_space<hbm>>
      %dma_wait3A_70 = tpu.memref_squeeze %dma_wait3A_69 : memref<1x81x128xi32, #tpu.memory_space<hbm>> -> memref<81x128xi32, #tpu.memory_space<hbm>>
      %dma_wait3A_71 = arith.constant 0 : i32
      %dma_wait3A_72 = arith.constant 0 : i32
      %dma_wait3A_73 = tpu.memref_slice %arg3[%add3A, %dma_wait3A_71, %dma_wait3A_72] : memref<32x81x128xi32, #tpu.memory_space<hbm>> -> memref<1x81x128xi32, #tpu.memory_space<hbm>>
      %dma_wait3A_74 = tpu.memref_squeeze %dma_wait3A_73 : memref<1x81x128xi32, #tpu.memory_space<hbm>> -> memref<81x128xi32, #tpu.memory_space<hbm>>
      tpu.wait_dma2 semaphore(%run_scoped3A : memref<!tpu.dma_semaphore, #tpu.memory_space<semaphore_mem>>) src(%dma_wait3A_74 : memref<81x128xi32, #tpu.memory_space<hbm>>) dst(%arg7 : memref<81x128xi32, #tpu.memory_space<vmem>>)
      tpu.yield
    }) : () -> ()
    "tpu.region"() ({
      %run_scoped3A = tpu.sem_alloc : memref<!tpu.dma_semaphore, #tpu.memory_space<semaphore_mem>>
      %dma_start3A_59 = arith.constant 0 : i32
      %dma_start3A_60 = arith.constant 0 : i32
      %dma_start3A_61 = tpu.memref_slice %arg4[%add3A, %dma_start3A_59, %dma_start3A_60] : memref<32x81x128xi32, #tpu.memory_space<hbm>> -> memref<1x81x128xi32, #tpu.memory_space<hbm>>
      %dma_start3A_62 = tpu.memref_squeeze %dma_start3A_61 : memref<1x81x128xi32, #tpu.memory_space<hbm>> -> memref<81x128xi32, #tpu.memory_space<hbm>>
      %dma_start3A_63 = arith.constant 0 : i32
      %dma_start3A_64 = arith.constant 0 : i32
      %dma_start3A_65 = tpu.memref_slice %arg4[%add3A, %dma_start3A_63, %dma_start3A_64] : memref<32x81x128xi32, #tpu.memory_space<hbm>> -> memref<1x81x128xi32, #tpu.memory_space<hbm>>
      %dma_start3A_66 = tpu.memref_squeeze %dma_start3A_65 : memref<1x81x128xi32, #tpu.memory_space<hbm>> -> memref<81x128xi32, #tpu.memory_space<hbm>>
      tpu.enqueue_dma source(%dma_start3A_66 : memref<81x128xi32, #tpu.memory_space<hbm>>) target(%arg8 : memref<81x128xi32, #tpu.memory_space<vmem>>) target_semaphore(%run_scoped3A : memref<!tpu.dma_semaphore, #tpu.memory_space<semaphore_mem>>)
      %dma_wait3A_67 = arith.constant 0 : i32
      %dma_wait3A_68 = arith.constant 0 : i32
      %dma_wait3A_69 = tpu.memref_slice %arg4[%add3A, %dma_wait3A_67, %dma_wait3A_68] : memref<32x81x128xi32, #tpu.memory_space<hbm>> -> memref<1x81x128xi32, #tpu.memory_space<hbm>>
      %dma_wait3A_70 = tpu.memref_squeeze %dma_wait3A_69 : memref<1x81x128xi32, #tpu.memory_space<hbm>> -> memref<81x128xi32, #tpu.memory_space<hbm>>
      %dma_wait3A_71 = arith.constant 0 : i32
      %dma_wait3A_72 = arith.constant 0 : i32
      %dma_wait3A_73 = tpu.memref_slice %arg4[%add3A, %dma_wait3A_71, %dma_wait3A_72] : memref<32x81x128xi32, #tpu.memory_space<hbm>> -> memref<1x81x128xi32, #tpu.memory_space<hbm>>
      %dma_wait3A_74 = tpu.memref_squeeze %dma_wait3A_73 : memref<1x81x128xi32, #tpu.memory_space<hbm>> -> memref<81x128xi32, #tpu.memory_space<hbm>>
      tpu.wait_dma2 semaphore(%run_scoped3A : memref<!tpu.dma_semaphore, #tpu.memory_space<semaphore_mem>>) src(%dma_wait3A_74 : memref<81x128xi32, #tpu.memory_space<hbm>>) dst(%arg8 : memref<81x128xi32, #tpu.memory_space<vmem>>)
      tpu.yield
    }) : () -> ()
    %mul3A_1 = arith.constant 632 : i32
    %mul3A_2 = arith.muli %arg1, %mul3A_1 : i32
    %mul3A_3 = arith.constant 632 : i32
    %mul3A_4 = arith.muli %arg1, %mul3A_3 : i32
    "tpu.region"() ({
      %run_scoped3A = tpu.sem_alloc : memref<!tpu.dma_semaphore, #tpu.memory_space<semaphore_mem>>
      %dma_start3A_59 = arith.constant 0 : i32
      %dma_start3A_60 = tpu.memref_slice %arg19[%mul3A_4, %dma_start3A_59] : memref<10112x64xf32, #tpu.memory_space<vmem_shared>> -> memref<632x64xf32, #tpu.memory_space<vmem_shared>>
      %dma_start3A_61 = arith.constant 0 : i32
      %dma_start3A_62 = tpu.memref_slice %arg5[%mul3A_2, %dma_start3A_61] : memref<10112x64xf32, #tpu.memory_space<hbm>> -> memref<632x64xf32, #tpu.memory_space<hbm>>
      tpu.enqueue_dma source(%dma_start3A_62 : memref<632x64xf32, #tpu.memory_space<hbm>>) target(%dma_start3A_60 : memref<632x64xf32, #tpu.memory_space<vmem_shared>>) target_semaphore(%run_scoped3A : memref<!tpu.dma_semaphore, #tpu.memory_space<semaphore_mem>>)
      %dma_wait3A_63 = arith.constant 0 : i32
      %dma_wait3A_64 = tpu.memref_slice %arg19[%mul3A_4, %dma_wait3A_63] : memref<10112x64xf32, #tpu.memory_space<vmem_shared>> -> memref<632x64xf32, #tpu.memory_space<vmem_shared>>
      %dma_wait3A_65 = arith.constant 0 : i32
      %dma_wait3A_66 = tpu.memref_slice %arg5[%mul3A_2, %dma_wait3A_65] : memref<10112x64xf32, #tpu.memory_space<hbm>> -> memref<632x64xf32, #tpu.memory_space<hbm>>
      tpu.wait_dma2 semaphore(%run_scoped3A : memref<!tpu.dma_semaphore, #tpu.memory_space<semaphore_mem>>) src(%dma_wait3A_66 : memref<632x64xf32, #tpu.memory_space<hbm>>) dst(%dma_wait3A_64 : memref<632x64xf32, #tpu.memory_space<vmem_shared>>)
      tpu.yield
    }) : () -> ()
    %mul3A_5 = arith.constant 632 : i32
    %mul3A_6 = arith.muli %arg1, %mul3A_5 : i32
    %mul3A_7 = arith.constant 632 : i32
    %mul3A_8 = arith.muli %arg1, %mul3A_7 : i32
    "tpu.region"() ({
      %run_scoped3A = tpu.sem_alloc : memref<!tpu.dma_semaphore, #tpu.memory_space<semaphore_mem>>
      %dma_start3A_59 = arith.constant 0 : i32
      %dma_start3A_60 = tpu.memref_slice %arg18[%mul3A_8, %dma_start3A_59] : memref<10112x64xf32, #tpu.memory_space<vmem_shared>> -> memref<632x64xf32, #tpu.memory_space<vmem_shared>>
      %dma_start3A_61 = arith.constant 0 : i32
      %dma_start3A_62 = tpu.memref_slice %arg2[%mul3A_6, %dma_start3A_61] : memref<10112x64xf32, #tpu.memory_space<hbm>> -> memref<632x64xf32, #tpu.memory_space<hbm>>
      tpu.enqueue_dma source(%dma_start3A_62 : memref<632x64xf32, #tpu.memory_space<hbm>>) target(%dma_start3A_60 : memref<632x64xf32, #tpu.memory_space<vmem_shared>>) target_semaphore(%run_scoped3A : memref<!tpu.dma_semaphore, #tpu.memory_space<semaphore_mem>>)
      %dma_wait3A_63 = arith.constant 0 : i32
      %dma_wait3A_64 = tpu.memref_slice %arg18[%mul3A_8, %dma_wait3A_63] : memref<10112x64xf32, #tpu.memory_space<vmem_shared>> -> memref<632x64xf32, #tpu.memory_space<vmem_shared>>
      %dma_wait3A_65 = arith.constant 0 : i32
      %dma_wait3A_66 = tpu.memref_slice %arg2[%mul3A_6, %dma_wait3A_65] : memref<10112x64xf32, #tpu.memory_space<hbm>> -> memref<632x64xf32, #tpu.memory_space<hbm>>
      tpu.wait_dma2 semaphore(%run_scoped3A : memref<!tpu.dma_semaphore, #tpu.memory_space<semaphore_mem>>) src(%dma_wait3A_66 : memref<632x64xf32, #tpu.memory_space<hbm>>) dst(%dma_wait3A_64 : memref<632x64xf32, #tpu.memory_space<vmem_shared>>)
      tpu.yield
    }) : () -> ()
    %barrier3A = arith.constant 0 : index
    tpu.barrier barrier_id(%barrier3A)
    %dma_start3A = arith.constant 0 : i32
    %dma_start3A_9 = arith.constant 0 : i32
    %dma_start3A_10 = tpu.memref_slice %arg7[%dma_start3A, %dma_start3A_9] : memref<81x128xi32, #tpu.memory_space<vmem>> -> memref<1x128xi32, #tpu.memory_space<vmem>>
    %dma_start3A_11 = tpu.memref_squeeze %dma_start3A_10 : memref<1x128xi32, #tpu.memory_space<vmem>> -> memref<128xi32, #tpu.memory_space<vmem>>
    %dma_start3A_12 = arith.constant 0 : i32
    %dma_start3A_13 = arith.constant 0 : i32
    %dma_start3A_14 = tpu.memref_slice %arg18[%dma_start3A_12, %dma_start3A_13] : memref<10112x64xf32, #tpu.memory_space<vmem_shared>> -> memref<10112x64xf32, #tpu.memory_space<vmem_shared>>
    tpu.enqueue_indirect_dma source(%dma_start3A_14 : memref<10112x64xf32, #tpu.memory_space<vmem_shared>>) target(%arg9 : memref<128x64xf32, #tpu.memory_space<vmem>>) offsets(%dma_start3A_11 : memref<128xi32, #tpu.memory_space<vmem>>) semaphore(%arg12 : memref<!tpu.dma_semaphore, #tpu.memory_space<semaphore_mem>>)
    %dma_start3A_15 = arith.constant 1 : i32
    %dma_start3A_16 = arith.constant 0 : i32
    %dma_start3A_17 = tpu.memref_slice %arg7[%dma_start3A_15, %dma_start3A_16] : memref<81x128xi32, #tpu.memory_space<vmem>> -> memref<1x128xi32, #tpu.memory_space<vmem>>
    %dma_start3A_18 = tpu.memref_squeeze %dma_start3A_17 : memref<1x128xi32, #tpu.memory_space<vmem>> -> memref<128xi32, #tpu.memory_space<vmem>>
    %dma_start3A_19 = arith.constant 0 : i32
    %dma_start3A_20 = arith.constant 0 : i32
    %dma_start3A_21 = tpu.memref_slice %arg18[%dma_start3A_19, %dma_start3A_20] : memref<10112x64xf32, #tpu.memory_space<vmem_shared>> -> memref<10112x64xf32, #tpu.memory_space<vmem_shared>>
    tpu.enqueue_indirect_dma source(%dma_start3A_21 : memref<10112x64xf32, #tpu.memory_space<vmem_shared>>) target(%arg10 : memref<128x64xf32, #tpu.memory_space<vmem>>) offsets(%dma_start3A_18 : memref<128xi32, #tpu.memory_space<vmem>>) semaphore(%arg13 : memref<!tpu.dma_semaphore, #tpu.memory_space<semaphore_mem>>)
    %dma_start3A_22 = arith.constant 2 : i32
    %dma_start3A_23 = arith.constant 0 : i32
    %dma_start3A_24 = tpu.memref_slice %arg7[%dma_start3A_22, %dma_start3A_23] : memref<81x128xi32, #tpu.memory_space<vmem>> -> memref<1x128xi32, #tpu.memory_space<vmem>>
    %dma_start3A_25 = tpu.memref_squeeze %dma_start3A_24 : memref<1x128xi32, #tpu.memory_space<vmem>> -> memref<128xi32, #tpu.memory_space<vmem>>
    %dma_start3A_26 = arith.constant 0 : i32
    %dma_start3A_27 = arith.constant 0 : i32
    %dma_start3A_28 = tpu.memref_slice %arg18[%dma_start3A_26, %dma_start3A_27] : memref<10112x64xf32, #tpu.memory_space<vmem_shared>> -> memref<10112x64xf32, #tpu.memory_space<vmem_shared>>
    tpu.enqueue_indirect_dma source(%dma_start3A_28 : memref<10112x64xf32, #tpu.memory_space<vmem_shared>>) target(%arg11 : memref<128x64xf32, #tpu.memory_space<vmem>>) offsets(%dma_start3A_25 : memref<128xi32, #tpu.memory_space<vmem>>) semaphore(%arg14 : memref<!tpu.dma_semaphore, #tpu.memory_space<semaphore_mem>>)
    %scan3A = arith.constant 0 : i32
    %scan3A_29 = arith.constant 0 : i32
    %scan3A_30 = arith.constant 27 : i32
    %scan3A_31 = arith.addi %scan3A_29, %scan3A_30 : i32
    %scan3A_32 = arith.constant 1 : i32
    scf.for %scan3A_59 = %scan3A_29 to %scan3A_31 step %scan3A_32  : i32 {
      %mul3A_60 = arith.constant 3 : i32
      %mul3A_61 = arith.muli %scan3A_59, %mul3A_60 : i32
      %add3A_62 = arith.constant 0 : i32
      %add3A_63 = arith.addi %mul3A_61, %add3A_62 : i32
      %dma_wait3A_64 = arith.constant 0 : i32
      %dma_wait3A_65 = tpu.memref_slice %arg7[%add3A_63, %dma_wait3A_64] : memref<81x128xi32, #tpu.memory_space<vmem>> -> memref<1x128xi32, #tpu.memory_space<vmem>>
      %dma_wait3A_66 = tpu.memref_squeeze %dma_wait3A_65 : memref<1x128xi32, #tpu.memory_space<vmem>> -> memref<128xi32, #tpu.memory_space<vmem>>
      %dma_wait3A_67 = arith.constant 0 : i32
      %dma_wait3A_68 = arith.constant 0 : i32
      %dma_wait3A_69 = tpu.memref_slice %arg18[%dma_wait3A_67, %dma_wait3A_68] : memref<10112x64xf32, #tpu.memory_space<vmem_shared>> -> memref<10112x64xf32, #tpu.memory_space<vmem_shared>>
      tpu.wait_indirect_dma semaphore(%arg12 : memref<!tpu.dma_semaphore, #tpu.memory_space<semaphore_mem>>) src(%dma_wait3A_69 : memref<10112x64xf32, #tpu.memory_space<vmem_shared>>) dst(%arg9 : memref<128x64xf32, #tpu.memory_space<vmem>>)
      %dma_start3A_70 = arith.constant 0 : i32
      %dma_start3A_71 = tpu.memref_slice %arg8[%add3A_63, %dma_start3A_70] : memref<81x128xi32, #tpu.memory_space<vmem>> -> memref<1x128xi32, #tpu.memory_space<vmem>>
      %dma_start3A_72 = tpu.memref_squeeze %dma_start3A_71 : memref<1x128xi32, #tpu.memory_space<vmem>> -> memref<128xi32, #tpu.memory_space<vmem>>
      %dma_start3A_73 = arith.constant 0 : i32
      %dma_start3A_74 = arith.constant 0 : i32
      %dma_start3A_75 = tpu.memref_slice %arg19[%dma_start3A_73, %dma_start3A_74] : memref<10112x64xf32, #tpu.memory_space<vmem_shared>> -> memref<10112x64xf32, #tpu.memory_space<vmem_shared>>
      tpu.enqueue_indirect_dma source(%arg9 : memref<128x64xf32, #tpu.memory_space<vmem>>) target(%dma_start3A_75 : memref<10112x64xf32, #tpu.memory_space<vmem_shared>>) offsets(%dma_start3A_72 : memref<128xi32, #tpu.memory_space<vmem>>) semaphore(%arg15 : memref<!tpu.dma_semaphore, #tpu.memory_space<semaphore_mem>>) {add = true}
      %ge3A = arith.constant 1 : i32
      %ge3A_76 = arith.cmpi sge, %add3A_63, %ge3A : i32
      %add3A_77 = arith.constant 2 : i32
      %add3A_78 = arith.addi %add3A_63, %add3A_77 : i32
      %lt3A = arith.constant 81 : i32
      %lt3A_79 = arith.cmpi slt, %add3A_78, %lt3A : i32
      %and3A = arith.andi %ge3A_76, %lt3A_79 : i1
      %convert_element_type3A = arith.extui %and3A : i1 to i32
      %cond3A = arith.constant 0 : i32
      %cond3A_80 = arith.cmpi ne, %convert_element_type3A, %cond3A : i32
      scf.if %cond3A_80 {
        %sub3A = arith.constant 1 : i32
        %sub3A_133 = arith.subi %add3A_63, %sub3A : i32
        %dma_wait3A_134 = arith.constant 0 : i32
        %dma_wait3A_135 = tpu.memref_slice %arg8[%sub3A_133, %dma_wait3A_134] : memref<81x128xi32, #tpu.memory_space<vmem>> -> memref<1x128xi32, #tpu.memory_space<vmem>>
        %dma_wait3A_136 = tpu.memref_squeeze %dma_wait3A_135 : memref<1x128xi32, #tpu.memory_space<vmem>> -> memref<128xi32, #tpu.memory_space<vmem>>
        %dma_wait3A_137 = arith.constant 0 : i32
        %dma_wait3A_138 = arith.constant 0 : i32
        %dma_wait3A_139 = tpu.memref_slice %arg19[%dma_wait3A_137, %dma_wait3A_138] : memref<10112x64xf32, #tpu.memory_space<vmem_shared>> -> memref<10112x64xf32, #tpu.memory_space<vmem_shared>>
        tpu.wait_indirect_dma semaphore(%arg17 : memref<!tpu.dma_semaphore, #tpu.memory_space<semaphore_mem>>) src(%arg11 : memref<128x64xf32, #tpu.memory_space<vmem>>) dst(%dma_wait3A_139 : memref<10112x64xf32, #tpu.memory_space<vmem_shared>>)
        %add3A_140 = arith.constant 2 : i32
        %add3A_141 = arith.addi %add3A_63, %add3A_140 : i32
        %dma_start3A_142 = arith.constant 0 : i32
        %dma_start3A_143 = tpu.memref_slice %arg7[%add3A_141, %dma_start3A_142] : memref<81x128xi32, #tpu.memory_space<vmem>> -> memref<1x128xi32, #tpu.memory_space<vmem>>
        %dma_start3A_144 = tpu.memref_squeeze %dma_start3A_143 : memref<1x128xi32, #tpu.memory_space<vmem>> -> memref<128xi32, #tpu.memory_space<vmem>>
        %dma_start3A_145 = arith.constant 0 : i32
        %dma_start3A_146 = arith.constant 0 : i32
        %dma_start3A_147 = tpu.memref_slice %arg18[%dma_start3A_145, %dma_start3A_146] : memref<10112x64xf32, #tpu.memory_space<vmem_shared>> -> memref<10112x64xf32, #tpu.memory_space<vmem_shared>>
        tpu.enqueue_indirect_dma source(%dma_start3A_147 : memref<10112x64xf32, #tpu.memory_space<vmem_shared>>) target(%arg11 : memref<128x64xf32, #tpu.memory_space<vmem>>) offsets(%dma_start3A_144 : memref<128xi32, #tpu.memory_space<vmem>>) semaphore(%arg14 : memref<!tpu.dma_semaphore, #tpu.memory_space<semaphore_mem>>)
      } else {
      }
      %mul3A_81 = arith.constant 3 : i32
      %mul3A_82 = arith.muli %scan3A_59, %mul3A_81 : i32
      %add3A_83 = arith.constant 1 : i32
      %add3A_84 = arith.addi %mul3A_82, %add3A_83 : i32
      %dma_wait3A_85 = arith.constant 0 : i32
      %dma_wait3A_86 = tpu.memref_slice %arg7[%add3A_84, %dma_wait3A_85] : memref<81x128xi32, #tpu.memory_space<vmem>> -> memref<1x128xi32, #tpu.memory_space<vmem>>
      %dma_wait3A_87 = tpu.memref_squeeze %dma_wait3A_86 : memref<1x128xi32, #tpu.memory_space<vmem>> -> memref<128xi32, #tpu.memory_space<vmem>>
      %dma_wait3A_88 = arith.constant 0 : i32
      %dma_wait3A_89 = arith.constant 0 : i32
      %dma_wait3A_90 = tpu.memref_slice %arg18[%dma_wait3A_88, %dma_wait3A_89] : memref<10112x64xf32, #tpu.memory_space<vmem_shared>> -> memref<10112x64xf32, #tpu.memory_space<vmem_shared>>
      tpu.wait_indirect_dma semaphore(%arg13 : memref<!tpu.dma_semaphore, #tpu.memory_space<semaphore_mem>>) src(%dma_wait3A_90 : memref<10112x64xf32, #tpu.memory_space<vmem_shared>>) dst(%arg10 : memref<128x64xf32, #tpu.memory_space<vmem>>)
      %dma_start3A_91 = arith.constant 0 : i32
      %dma_start3A_92 = tpu.memref_slice %arg8[%add3A_84, %dma_start3A_91] : memref<81x128xi32, #tpu.memory_space<vmem>> -> memref<1x128xi32, #tpu.memory_space<vmem>>
      %dma_start3A_93 = tpu.memref_squeeze %dma_start3A_92 : memref<1x128xi32, #tpu.memory_space<vmem>> -> memref<128xi32, #tpu.memory_space<vmem>>
      %dma_start3A_94 = arith.constant 0 : i32
      %dma_start3A_95 = arith.constant 0 : i32
      %dma_start3A_96 = tpu.memref_slice %arg19[%dma_start3A_94, %dma_start3A_95] : memref<10112x64xf32, #tpu.memory_space<vmem_shared>> -> memref<10112x64xf32, #tpu.memory_space<vmem_shared>>
      tpu.enqueue_indirect_dma source(%arg10 : memref<128x64xf32, #tpu.memory_space<vmem>>) target(%dma_start3A_96 : memref<10112x64xf32, #tpu.memory_space<vmem_shared>>) offsets(%dma_start3A_93 : memref<128xi32, #tpu.memory_space<vmem>>) semaphore(%arg16 : memref<!tpu.dma_semaphore, #tpu.memory_space<semaphore_mem>>) {add = true}
      %ge3A_97 = arith.constant 1 : i32
      %ge3A_98 = arith.cmpi sge, %add3A_84, %ge3A_97 : i32
      %add3A_99 = arith.constant 2 : i32
      %add3A_100 = arith.addi %add3A_84, %add3A_99 : i32
      %lt3A_101 = arith.constant 81 : i32
      %lt3A_102 = arith.cmpi slt, %add3A_100, %lt3A_101 : i32
      %and3A_103 = arith.andi %ge3A_98, %lt3A_102 : i1
      %convert_element_type3A_104 = arith.extui %and3A_103 : i1 to i32
      %cond3A_105 = arith.constant 0 : i32
      %cond3A_106 = arith.cmpi ne, %convert_element_type3A_104, %cond3A_105 : i32
      scf.if %cond3A_106 {
        %sub3A = arith.constant 1 : i32
        %sub3A_133 = arith.subi %add3A_84, %sub3A : i32
        %dma_wait3A_134 = arith.constant 0 : i32
        %dma_wait3A_135 = tpu.memref_slice %arg8[%sub3A_133, %dma_wait3A_134] : memref<81x128xi32, #tpu.memory_space<vmem>> -> memref<1x128xi32, #tpu.memory_space<vmem>>
        %dma_wait3A_136 = tpu.memref_squeeze %dma_wait3A_135 : memref<1x128xi32, #tpu.memory_space<vmem>> -> memref<128xi32, #tpu.memory_space<vmem>>
        %dma_wait3A_137 = arith.constant 0 : i32
        %dma_wait3A_138 = arith.constant 0 : i32
        %dma_wait3A_139 = tpu.memref_slice %arg19[%dma_wait3A_137, %dma_wait3A_138] : memref<10112x64xf32, #tpu.memory_space<vmem_shared>> -> memref<10112x64xf32, #tpu.memory_space<vmem_shared>>
        tpu.wait_indirect_dma semaphore(%arg15 : memref<!tpu.dma_semaphore, #tpu.memory_space<semaphore_mem>>) src(%arg9 : memref<128x64xf32, #tpu.memory_space<vmem>>) dst(%dma_wait3A_139 : memref<10112x64xf32, #tpu.memory_space<vmem_shared>>)
        %add3A_140 = arith.constant 2 : i32
        %add3A_141 = arith.addi %add3A_84, %add3A_140 : i32
        %dma_start3A_142 = arith.constant 0 : i32
        %dma_start3A_143 = tpu.memref_slice %arg7[%add3A_141, %dma_start3A_142] : memref<81x128xi32, #tpu.memory_space<vmem>> -> memref<1x128xi32, #tpu.memory_space<vmem>>
        %dma_start3A_144 = tpu.memref_squeeze %dma_start3A_143 : memref<1x128xi32, #tpu.memory_space<vmem>> -> memref<128xi32, #tpu.memory_space<vmem>>
        %dma_start3A_145 = arith.constant 0 : i32
        %dma_start3A_146 = arith.constant 0 : i32
        %dma_start3A_147 = tpu.memref_slice %arg18[%dma_start3A_145, %dma_start3A_146] : memref<10112x64xf32, #tpu.memory_space<vmem_shared>> -> memref<10112x64xf32, #tpu.memory_space<vmem_shared>>
        tpu.enqueue_indirect_dma source(%dma_start3A_147 : memref<10112x64xf32, #tpu.memory_space<vmem_shared>>) target(%arg9 : memref<128x64xf32, #tpu.memory_space<vmem>>) offsets(%dma_start3A_144 : memref<128xi32, #tpu.memory_space<vmem>>) semaphore(%arg12 : memref<!tpu.dma_semaphore, #tpu.memory_space<semaphore_mem>>)
      } else {
      }
      %mul3A_107 = arith.constant 3 : i32
      %mul3A_108 = arith.muli %scan3A_59, %mul3A_107 : i32
      %add3A_109 = arith.constant 2 : i32
      %add3A_110 = arith.addi %mul3A_108, %add3A_109 : i32
      %dma_wait3A_111 = arith.constant 0 : i32
      %dma_wait3A_112 = tpu.memref_slice %arg7[%add3A_110, %dma_wait3A_111] : memref<81x128xi32, #tpu.memory_space<vmem>> -> memref<1x128xi32, #tpu.memory_space<vmem>>
      %dma_wait3A_113 = tpu.memref_squeeze %dma_wait3A_112 : memref<1x128xi32, #tpu.memory_space<vmem>> -> memref<128xi32, #tpu.memory_space<vmem>>
      %dma_wait3A_114 = arith.constant 0 : i32
      %dma_wait3A_115 = arith.constant 0 : i32
      %dma_wait3A_116 = tpu.memref_slice %arg18[%dma_wait3A_114, %dma_wait3A_115] : memref<10112x64xf32, #tpu.memory_space<vmem_shared>> -> memref<10112x64xf32, #tpu.memory_space<vmem_shared>>
      tpu.wait_indirect_dma semaphore(%arg14 : memref<!tpu.dma_semaphore, #tpu.memory_space<semaphore_mem>>) src(%dma_wait3A_116 : memref<10112x64xf32, #tpu.memory_space<vmem_shared>>) dst(%arg11 : memref<128x64xf32, #tpu.memory_space<vmem>>)
      %dma_start3A_117 = arith.constant 0 : i32
      %dma_start3A_118 = tpu.memref_slice %arg8[%add3A_110, %dma_start3A_117] : memref<81x128xi32, #tpu.memory_space<vmem>> -> memref<1x128xi32, #tpu.memory_space<vmem>>
      %dma_start3A_119 = tpu.memref_squeeze %dma_start3A_118 : memref<1x128xi32, #tpu.memory_space<vmem>> -> memref<128xi32, #tpu.memory_space<vmem>>
      %dma_start3A_120 = arith.constant 0 : i32
      %dma_start3A_121 = arith.constant 0 : i32
      %dma_start3A_122 = tpu.memref_slice %arg19[%dma_start3A_120, %dma_start3A_121] : memref<10112x64xf32, #tpu.memory_space<vmem_shared>> -> memref<10112x64xf32, #tpu.memory_space<vmem_shared>>
      tpu.enqueue_indirect_dma source(%arg11 : memref<128x64xf32, #tpu.memory_space<vmem>>) target(%dma_start3A_122 : memref<10112x64xf32, #tpu.memory_space<vmem_shared>>) offsets(%dma_start3A_119 : memref<128xi32, #tpu.memory_space<vmem>>) semaphore(%arg17 : memref<!tpu.dma_semaphore, #tpu.memory_space<semaphore_mem>>) {add = true}
      %ge3A_123 = arith.constant 1 : i32
      %ge3A_124 = arith.cmpi sge, %add3A_110, %ge3A_123 : i32
      %add3A_125 = arith.constant 2 : i32
      %add3A_126 = arith.addi %add3A_110, %add3A_125 : i32
      %lt3A_127 = arith.constant 81 : i32
      %lt3A_128 = arith.cmpi slt, %add3A_126, %lt3A_127 : i32
      %and3A_129 = arith.andi %ge3A_124, %lt3A_128 : i1
      %convert_element_type3A_130 = arith.extui %and3A_129 : i1 to i32
      %cond3A_131 = arith.constant 0 : i32
      %cond3A_132 = arith.cmpi ne, %convert_element_type3A_130, %cond3A_131 : i32
      scf.if %cond3A_132 {
        %sub3A = arith.constant 1 : i32
        %sub3A_133 = arith.subi %add3A_110, %sub3A : i32
        %dma_wait3A_134 = arith.constant 0 : i32
        %dma_wait3A_135 = tpu.memref_slice %arg8[%sub3A_133, %dma_wait3A_134] : memref<81x128xi32, #tpu.memory_space<vmem>> -> memref<1x128xi32, #tpu.memory_space<vmem>>
        %dma_wait3A_136 = tpu.memref_squeeze %dma_wait3A_135 : memref<1x128xi32, #tpu.memory_space<vmem>> -> memref<128xi32, #tpu.memory_space<vmem>>
        %dma_wait3A_137 = arith.constant 0 : i32
        %dma_wait3A_138 = arith.constant 0 : i32
        %dma_wait3A_139 = tpu.memref_slice %arg19[%dma_wait3A_137, %dma_wait3A_138] : memref<10112x64xf32, #tpu.memory_space<vmem_shared>> -> memref<10112x64xf32, #tpu.memory_space<vmem_shared>>
        tpu.wait_indirect_dma semaphore(%arg16 : memref<!tpu.dma_semaphore, #tpu.memory_space<semaphore_mem>>) src(%arg10 : memref<128x64xf32, #tpu.memory_space<vmem>>) dst(%dma_wait3A_139 : memref<10112x64xf32, #tpu.memory_space<vmem_shared>>)
        %add3A_140 = arith.constant 2 : i32
        %add3A_141 = arith.addi %add3A_110, %add3A_140 : i32
        %dma_start3A_142 = arith.constant 0 : i32
        %dma_start3A_143 = tpu.memref_slice %arg7[%add3A_141, %dma_start3A_142] : memref<81x128xi32, #tpu.memory_space<vmem>> -> memref<1x128xi32, #tpu.memory_space<vmem>>
        %dma_start3A_144 = tpu.memref_squeeze %dma_start3A_143 : memref<1x128xi32, #tpu.memory_space<vmem>> -> memref<128xi32, #tpu.memory_space<vmem>>
        %dma_start3A_145 = arith.constant 0 : i32
        %dma_start3A_146 = arith.constant 0 : i32
        %dma_start3A_147 = tpu.memref_slice %arg18[%dma_start3A_145, %dma_start3A_146] : memref<10112x64xf32, #tpu.memory_space<vmem_shared>> -> memref<10112x64xf32, #tpu.memory_space<vmem_shared>>
        tpu.enqueue_indirect_dma source(%dma_start3A_147 : memref<10112x64xf32, #tpu.memory_space<vmem_shared>>) target(%arg10 : memref<128x64xf32, #tpu.memory_space<vmem>>) offsets(%dma_start3A_144 : memref<128xi32, #tpu.memory_space<vmem>>) semaphore(%arg13 : memref<!tpu.dma_semaphore, #tpu.memory_space<semaphore_mem>>)
      } else {
      }
    }
    %scan3A_33 = arith.constant 27 : i32
    %dma_wait3A = arith.constant 78 : i32
    %dma_wait3A_34 = arith.constant 0 : i32
    %dma_wait3A_35 = tpu.memref_slice %arg8[%dma_wait3A, %dma_wait3A_34] : memref<81x128xi32, #tpu.memory_space<vmem>> -> memref<1x128xi32, #tpu.memory_space<vmem>>
    %dma_wait3A_36 = tpu.memref_squeeze %dma_wait3A_35 : memref<1x128xi32, #tpu.memory_space<vmem>> -> memref<128xi32, #tpu.memory_space<vmem>>
    %dma_wait3A_37 = arith.constant 0 : i32
    %dma_wait3A_38 = arith.constant 0 : i32
    %dma_wait3A_39 = tpu.memref_slice %arg19[%dma_wait3A_37, %dma_wait3A_38] : memref<10112x64xf32, #tpu.memory_space<vmem_shared>> -> memref<10112x64xf32, #tpu.memory_space<vmem_shared>>
    tpu.wait_indirect_dma semaphore(%arg15 : memref<!tpu.dma_semaphore, #tpu.memory_space<semaphore_mem>>) src(%arg9 : memref<128x64xf32, #tpu.memory_space<vmem>>) dst(%dma_wait3A_39 : memref<10112x64xf32, #tpu.memory_space<vmem_shared>>)
    %dma_wait3A_40 = arith.constant 79 : i32
    %dma_wait3A_41 = arith.constant 0 : i32
    %dma_wait3A_42 = tpu.memref_slice %arg8[%dma_wait3A_40, %dma_wait3A_41] : memref<81x128xi32, #tpu.memory_space<vmem>> -> memref<1x128xi32, #tpu.memory_space<vmem>>
    %dma_wait3A_43 = tpu.memref_squeeze %dma_wait3A_42 : memref<1x128xi32, #tpu.memory_space<vmem>> -> memref<128xi32, #tpu.memory_space<vmem>>
    %dma_wait3A_44 = arith.constant 0 : i32
    %dma_wait3A_45 = arith.constant 0 : i32
    %dma_wait3A_46 = tpu.memref_slice %arg19[%dma_wait3A_44, %dma_wait3A_45] : memref<10112x64xf32, #tpu.memory_space<vmem_shared>> -> memref<10112x64xf32, #tpu.memory_space<vmem_shared>>
    tpu.wait_indirect_dma semaphore(%arg16 : memref<!tpu.dma_semaphore, #tpu.memory_space<semaphore_mem>>) src(%arg10 : memref<128x64xf32, #tpu.memory_space<vmem>>) dst(%dma_wait3A_46 : memref<10112x64xf32, #tpu.memory_space<vmem_shared>>)
    %dma_wait3A_47 = arith.constant 80 : i32
    %dma_wait3A_48 = arith.constant 0 : i32
    %dma_wait3A_49 = tpu.memref_slice %arg8[%dma_wait3A_47, %dma_wait3A_48] : memref<81x128xi32, #tpu.memory_space<vmem>> -> memref<1x128xi32, #tpu.memory_space<vmem>>
    %dma_wait3A_50 = tpu.memref_squeeze %dma_wait3A_49 : memref<1x128xi32, #tpu.memory_space<vmem>> -> memref<128xi32, #tpu.memory_space<vmem>>
    %dma_wait3A_51 = arith.constant 0 : i32
    %dma_wait3A_52 = arith.constant 0 : i32
    %dma_wait3A_53 = tpu.memref_slice %arg19[%dma_wait3A_51, %dma_wait3A_52] : memref<10112x64xf32, #tpu.memory_space<vmem_shared>> -> memref<10112x64xf32, #tpu.memory_space<vmem_shared>>
    tpu.wait_indirect_dma semaphore(%arg17 : memref<!tpu.dma_semaphore, #tpu.memory_space<semaphore_mem>>) src(%arg11 : memref<128x64xf32, #tpu.memory_space<vmem>>) dst(%dma_wait3A_53 : memref<10112x64xf32, #tpu.memory_space<vmem_shared>>)
    %barrier3A_54 = arith.constant 0 : index
    tpu.barrier barrier_id(%barrier3A_54)
    %mul3A_55 = arith.constant 632 : i32
    %mul3A_56 = arith.muli %arg1, %mul3A_55 : i32
    %mul3A_57 = arith.constant 632 : i32
    %mul3A_58 = arith.muli %arg1, %mul3A_57 : i32
    "tpu.region"() ({
      %run_scoped3A = tpu.sem_alloc : memref<!tpu.dma_semaphore, #tpu.memory_space<semaphore_mem>>
      %dma_start3A_59 = arith.constant 0 : i32
      %dma_start3A_60 = tpu.memref_slice %arg6[%arg0, %mul3A_58, %dma_start3A_59] : memref<2x10112x64xf32, #tpu.memory_space<hbm>> -> memref<1x632x64xf32, #tpu.memory_space<hbm>>
      %dma_start3A_61 = tpu.memref_squeeze %dma_start3A_60 : memref<1x632x64xf32, #tpu.memory_space<hbm>> -> memref<632x64xf32, #tpu.memory_space<hbm>>
      %dma_start3A_62 = arith.constant 0 : i32
      %dma_start3A_63 = tpu.memref_slice %arg19[%mul3A_56, %dma_start3A_62] : memref<10112x64xf32, #tpu.memory_space<vmem_shared>> -> memref<632x64xf32, #tpu.memory_space<vmem_shared>>
      tpu.enqueue_dma source(%dma_start3A_63 : memref<632x64xf32, #tpu.memory_space<vmem_shared>>) target(%dma_start3A_61 : memref<632x64xf32, #tpu.memory_space<hbm>>) target_semaphore(%run_scoped3A : memref<!tpu.dma_semaphore, #tpu.memory_space<semaphore_mem>>)
      %dma_wait3A_64 = arith.constant 0 : i32
      %dma_wait3A_65 = tpu.memref_slice %arg6[%arg0, %mul3A_58, %dma_wait3A_64] : memref<2x10112x64xf32, #tpu.memory_space<hbm>> -> memref<1x632x64xf32, #tpu.memory_space<hbm>>
      %dma_wait3A_66 = tpu.memref_squeeze %dma_wait3A_65 : memref<1x632x64xf32, #tpu.memory_space<hbm>> -> memref<632x64xf32, #tpu.memory_space<hbm>>
      %dma_wait3A_67 = arith.constant 0 : i32
      %dma_wait3A_68 = tpu.memref_slice %arg19[%mul3A_56, %dma_wait3A_67] : memref<10112x64xf32, #tpu.memory_space<vmem_shared>> -> memref<632x64xf32, #tpu.memory_space<vmem_shared>>
      tpu.wait_dma2 semaphore(%run_scoped3A : memref<!tpu.dma_semaphore, #tpu.memory_space<semaphore_mem>>) src(%dma_wait3A_68 : memref<632x64xf32, #tpu.memory_space<vmem_shared>>) dst(%dma_wait3A_66 : memref<632x64xf32, #tpu.memory_space<hbm>>)
      tpu.yield
    }) : () -> ()
    return
  }
}

module attributes {stable_mosaic.version = 14 : i64} {
  func.func @_tc1_body(%arg0: memref<10112x128xf32, #tpu.memory_space<vmem>>, %arg1: memref<128x128xf32, #tpu.memory_space<vmem>>, %arg2: memref<2x10112x16xf32, #tpu.memory_space<vmem>>, %arg3: memref<2x10112x64xf32, #tpu.memory_space<vmem>>, %arg4: memref<10112x1xf32, #tpu.memory_space<vmem>>) attributes {dimension_semantics = [], scalar_prefetch = 0 : i64, scratch_operands = 0 : i64, tpu.core_type = #tpu.core_type<tc>} {
    %get3A = arith.constant 0 : index
    %get3A_0 = arith.constant 0 : index
    %get3A_1 = arith.constant 0 : index
    %get3A_2 = vector.load %arg2[%get3A, %get3A_0, %get3A_1] : memref<2x10112x16xf32, #tpu.memory_space<vmem>>, vector<1x10112x16xf32>
    %get3A_3 = vector.shape_cast %get3A_2 : vector<1x10112x16xf32> to vector<10112x16xf32>
    %slice3A = vector.extract_strided_slice %get3A_3 {offsets = [0, 0], sizes = [10112, 1], strides = [1, 1]} : vector<10112x16xf32> to vector<10112x1xf32>
    %get3A_4 = arith.constant 1 : index
    %get3A_5 = arith.constant 0 : index
    %get3A_6 = arith.constant 0 : index
    %get3A_7 = vector.load %arg2[%get3A_4, %get3A_5, %get3A_6] : memref<2x10112x16xf32, #tpu.memory_space<vmem>>, vector<1x10112x16xf32>
    %get3A_8 = vector.shape_cast %get3A_7 : vector<1x10112x16xf32> to vector<10112x16xf32>
    %slice3A_9 = vector.extract_strided_slice %get3A_8 {offsets = [0, 0], sizes = [10112, 1], strides = [1, 1]} : vector<10112x16xf32> to vector<10112x1xf32>
    %add3A = arith.addf %slice3A, %slice3A_9 : vector<10112x1xf32>
    %add3A_10 = arith.constant 1.000000e+00 : f32
    %add3A_11 = vector.broadcast %add3A_10 : f32 to vector<10112x1xf32>
    %add3A_12 = arith.addf %add3A, %add3A_11 : vector<10112x1xf32>
    %rsqrt3A = math.rsqrt %add3A_12 : vector<10112x1xf32>
    %get3A_13 = arith.constant 0 : index
    %get3A_14 = arith.constant 0 : index
    %get3A_15 = vector.load %arg0[%get3A_13, %get3A_14] : memref<10112x128xf32, #tpu.memory_space<vmem>>, vector<10112x128xf32>
    %get3A_16 = arith.constant 0 : index
    %get3A_17 = arith.constant 0 : index
    %get3A_18 = vector.load %arg1[%get3A_16, %get3A_17] : memref<128x128xf32, #tpu.memory_space<vmem>>, vector<128x128xf32>
    %dot_general3A = arith.constant dense<0.000000e+00> : vector<10112x128xf32>
    %dot_general3A_19 = tpu.matmul %get3A_15, %get3A_18, %dot_general3A {dimension_numbers = #tpu.dot_dimension_numbers<[1], [0], [0], [1], [0, 0, 1, 1], [], []>, transpose_lhs_hint = false} : vector<10112x128xf32>, vector<128x128xf32>, vector<10112x128xf32> -> vector<10112x128xf32>
    %mul3A = vector.broadcast %rsqrt3A : vector<10112x1xf32> to vector<10112x128xf32>
    %mul3A_20 = arith.mulf %mul3A, %dot_general3A_19 : vector<10112x128xf32>
    %slice3A_21 = vector.extract_strided_slice %mul3A_20 {offsets = [0, 0], sizes = [10112, 64], strides = [1, 1]} : vector<10112x128xf32> to vector<10112x64xf32>
    %swap3A = arith.constant 0 : index
    %swap3A_22 = arith.constant 0 : index
    %swap3A_23 = arith.constant 0 : index
    %swap3A_24 = vector.load %arg3[%swap3A, %swap3A_22, %swap3A_23] : memref<2x10112x64xf32, #tpu.memory_space<vmem>>, vector<1x10112x64xf32>
    %swap3A_25 = vector.shape_cast %swap3A_24 : vector<1x10112x64xf32> to vector<10112x64xf32>
    %swap3A_26 = vector.shape_cast %slice3A_21 : vector<10112x64xf32> to vector<1x10112x64xf32>
    tpu.vector_store %arg3[%swap3A, %swap3A_22, %swap3A_23], %swap3A_26 {strides = array<i32>} : memref<2x10112x64xf32, #tpu.memory_space<vmem>>, vector<1x10112x64xf32>,
    %slice3A_27 = vector.extract_strided_slice %mul3A_20 {offsets = [0, 64], sizes = [10112, 64], strides = [1, 1]} : vector<10112x128xf32> to vector<10112x64xf32>
    %swap3A_28 = arith.constant 1 : index
    %swap3A_29 = arith.constant 0 : index
    %swap3A_30 = arith.constant 0 : index
    %swap3A_31 = vector.load %arg3[%swap3A_28, %swap3A_29, %swap3A_30] : memref<2x10112x64xf32, #tpu.memory_space<vmem>>, vector<1x10112x64xf32>
    %swap3A_32 = vector.shape_cast %swap3A_31 : vector<1x10112x64xf32> to vector<10112x64xf32>
    %swap3A_33 = vector.shape_cast %slice3A_27 : vector<10112x64xf32> to vector<1x10112x64xf32>
    tpu.vector_store %arg3[%swap3A_28, %swap3A_29, %swap3A_30], %swap3A_33 {strides = array<i32>} : memref<2x10112x64xf32, #tpu.memory_space<vmem>>, vector<1x10112x64xf32>,
    %swap3A_34 = arith.constant 0 : index
    %swap3A_35 = arith.constant 0 : index
    %swap3A_36 = vector.load %arg4[%swap3A_34, %swap3A_35] : memref<10112x1xf32, #tpu.memory_space<vmem>>, vector<10112x1xf32>
    tpu.vector_store %arg4[%swap3A_34, %swap3A_35], %rsqrt3A {strides = array<i32>} : memref<10112x1xf32, #tpu.memory_space<vmem>>, vector<10112x1xf32>,
    return
  }
}

module attributes {stable_mosaic.version = 14 : i64} {
  func.func @_tc2_body(%arg0: memref<2x10112x64xf32, #tpu.memory_space<vmem>>, %arg1: memref<2x10112x64xf32, #tpu.memory_space<vmem>>, %arg2: memref<10112x1xf32, #tpu.memory_space<vmem>>, %arg3: memref<1x128xf32, #tpu.memory_space<vmem>>, %arg4: memref<10112x128xf32, #tpu.memory_space<vmem>>, %arg5: memref<128x64xf32, #tpu.memory_space<vmem>>, %arg6: memref<10112x64xf32, #tpu.memory_space<vmem>>) attributes {dimension_semantics = [], scalar_prefetch = 0 : i64, scratch_operands = 0 : i64, tpu.core_type = #tpu.core_type<tc>} {
    %get3A = arith.constant 0 : index
    %get3A_0 = arith.constant 0 : index
    %get3A_1 = vector.load %arg2[%get3A, %get3A_0] : memref<10112x1xf32, #tpu.memory_space<vmem>>, vector<10112x1xf32>
    %get3A_2 = arith.constant 0 : index
    %get3A_3 = arith.constant 0 : index
    %get3A_4 = arith.constant 0 : index
    %get3A_5 = vector.load %arg0[%get3A_2, %get3A_3, %get3A_4] : memref<2x10112x64xf32, #tpu.memory_space<vmem>>, vector<1x10112x64xf32>
    %get3A_6 = vector.shape_cast %get3A_5 : vector<1x10112x64xf32> to vector<10112x64xf32>
    %get3A_7 = arith.constant 1 : index
    %get3A_8 = arith.constant 0 : index
    %get3A_9 = arith.constant 0 : index
    %get3A_10 = vector.load %arg0[%get3A_7, %get3A_8, %get3A_9] : memref<2x10112x64xf32, #tpu.memory_space<vmem>>, vector<1x10112x64xf32>
    %get3A_11 = vector.shape_cast %get3A_10 : vector<1x10112x64xf32> to vector<10112x64xf32>
    %concatenate3A = tpu.concatenate %get3A_6, %get3A_11 in 1 : vector<10112x64xf32>, vector<10112x64xf32> -> vector<10112x128xf32>
    %get3A_12 = arith.constant 0 : index
    %get3A_13 = arith.constant 0 : index
    %get3A_14 = arith.constant 0 : index
    %get3A_15 = vector.load %arg1[%get3A_12, %get3A_13, %get3A_14] : memref<2x10112x64xf32, #tpu.memory_space<vmem>>, vector<1x10112x64xf32>
    %get3A_16 = vector.shape_cast %get3A_15 : vector<1x10112x64xf32> to vector<10112x64xf32>
    %get3A_17 = arith.constant 1 : index
    %get3A_18 = arith.constant 0 : index
    %get3A_19 = arith.constant 0 : index
    %get3A_20 = vector.load %arg1[%get3A_17, %get3A_18, %get3A_19] : memref<2x10112x64xf32, #tpu.memory_space<vmem>>, vector<1x10112x64xf32>
    %get3A_21 = vector.shape_cast %get3A_20 : vector<1x10112x64xf32> to vector<10112x64xf32>
    %concatenate3A_22 = tpu.concatenate %get3A_16, %get3A_21 in 1 : vector<10112x64xf32>, vector<10112x64xf32> -> vector<10112x128xf32>
    %add3A = arith.addf %concatenate3A, %concatenate3A_22 : vector<10112x128xf32>
    %mul3A = vector.broadcast %get3A_1 : vector<10112x1xf32> to vector<10112x128xf32>
    %mul3A_23 = arith.mulf %mul3A, %add3A : vector<10112x128xf32>
    %get3A_24 = arith.constant 0 : index
    %get3A_25 = arith.constant 0 : index
    %get3A_26 = vector.load %arg3[%get3A_24, %get3A_25] : memref<1x128xf32, #tpu.memory_space<vmem>>, vector<1x128xf32>
    %add3A_27 = vector.broadcast %get3A_26 : vector<1x128xf32> to vector<10112x128xf32>
    %add3A_28 = arith.addf %mul3A_23, %add3A_27 : vector<10112x128xf32>
    %ge3A = arith.constant 0.000000e+00 : f32
    %ge3A_29 = vector.broadcast %ge3A : f32 to vector<10112x128xf32>
    %ge3A_30 = arith.cmpf oge, %add3A_28, %ge3A_29 : vector<10112x128xf32>
    %mul3A_31 = arith.constant 0.00999999977 : f32
    %mul3A_32 = vector.broadcast %mul3A_31 : f32 to vector<10112x128xf32>
    %mul3A_33 = arith.mulf %mul3A_32, %add3A_28 : vector<10112x128xf32>
    %select_n3A = arith.select %ge3A_30, %add3A_28, %mul3A_33 : vector<10112x128xi1>, vector<10112x128xf32>
    %get3A_34 = arith.constant 0 : index
    %get3A_35 = arith.constant 0 : index
    %get3A_36 = vector.load %arg4[%get3A_34, %get3A_35] : memref<10112x128xf32, #tpu.memory_space<vmem>>, vector<10112x128xf32>
    %mul3A_37 = arith.mulf %select_n3A, %get3A_36 : vector<10112x128xf32>
    %get3A_38 = arith.constant 0 : index
    %get3A_39 = arith.constant 0 : index
    %get3A_40 = vector.load %arg5[%get3A_38, %get3A_39] : memref<128x64xf32, #tpu.memory_space<vmem>>, vector<128x64xf32>
    %dot_general3A = arith.constant dense<0.000000e+00> : vector<10112x64xf32>
    %dot_general3A_41 = tpu.matmul %mul3A_37, %get3A_40, %dot_general3A {dimension_numbers = #tpu.dot_dimension_numbers<[1], [0], [0], [1], [0, 0, 1, 1], [], []>, transpose_lhs_hint = false} : vector<10112x128xf32>, vector<128x64xf32>, vector<10112x64xf32> -> vector<10112x64xf32>
    %mul3A_42 = vector.broadcast %get3A_1 : vector<10112x1xf32> to vector<10112x64xf32>
    %mul3A_43 = arith.mulf %mul3A_42, %dot_general3A_41 : vector<10112x64xf32>
    %swap3A = arith.constant 0 : index
    %swap3A_44 = arith.constant 0 : index
    %swap3A_45 = vector.load %arg6[%swap3A, %swap3A_44] : memref<10112x64xf32, #tpu.memory_space<vmem>>, vector<10112x64xf32>
    tpu.vector_store %arg6[%swap3A, %swap3A_44], %mul3A_43 {strides = array<i32>} : memref<10112x64xf32, #tpu.memory_space<vmem>>, vector<10112x64xf32>,
    return
  }
}

module attributes {stable_mosaic.version = 14 : i64} {
  func.func @_tc3_body(%arg0: memref<2x10112x64xf32, #tpu.memory_space<vmem>>, %arg1: memref<10112x64xf32, #tpu.memory_space<vmem>>, %arg2: memref<10112x1xf32, #tpu.memory_space<vmem>>, %arg3: memref<1x64xf32, #tpu.memory_space<vmem>>, %arg4: memref<10112x64xf32, #tpu.memory_space<vmem>>) attributes {dimension_semantics = [], scalar_prefetch = 0 : i64, scratch_operands = 0 : i64, tpu.core_type = #tpu.core_type<tc>} {
    %get3A = arith.constant 0 : index
    %get3A_0 = arith.constant 0 : index
    %get3A_1 = vector.load %arg2[%get3A, %get3A_0] : memref<10112x1xf32, #tpu.memory_space<vmem>>, vector<10112x1xf32>
    %get3A_2 = arith.constant 0 : index
    %get3A_3 = arith.constant 0 : index
    %get3A_4 = arith.constant 0 : index
    %get3A_5 = vector.load %arg0[%get3A_2, %get3A_3, %get3A_4] : memref<2x10112x64xf32, #tpu.memory_space<vmem>>, vector<1x10112x64xf32>
    %get3A_6 = vector.shape_cast %get3A_5 : vector<1x10112x64xf32> to vector<10112x64xf32>
    %get3A_7 = arith.constant 1 : index
    %get3A_8 = arith.constant 0 : index
    %get3A_9 = arith.constant 0 : index
    %get3A_10 = vector.load %arg0[%get3A_7, %get3A_8, %get3A_9] : memref<2x10112x64xf32, #tpu.memory_space<vmem>>, vector<1x10112x64xf32>
    %get3A_11 = vector.shape_cast %get3A_10 : vector<1x10112x64xf32> to vector<10112x64xf32>
    %add3A = arith.addf %get3A_6, %get3A_11 : vector<10112x64xf32>
    %get3A_12 = arith.constant 0 : index
    %get3A_13 = arith.constant 0 : index
    %get3A_14 = vector.load %arg1[%get3A_12, %get3A_13] : memref<10112x64xf32, #tpu.memory_space<vmem>>, vector<10112x64xf32>
    %add3A_15 = arith.addf %add3A, %get3A_14 : vector<10112x64xf32>
    %mul3A = vector.broadcast %get3A_1 : vector<10112x1xf32> to vector<10112x64xf32>
    %mul3A_16 = arith.mulf %mul3A, %add3A_15 : vector<10112x64xf32>
    %get3A_17 = arith.constant 0 : index
    %get3A_18 = arith.constant 0 : index
    %get3A_19 = vector.load %arg3[%get3A_17, %get3A_18] : memref<1x64xf32, #tpu.memory_space<vmem>>, vector<1x64xf32>
    %add3A_20 = vector.broadcast %get3A_19 : vector<1x64xf32> to vector<10112x64xf32>
    %add3A_21 = arith.addf %mul3A_16, %add3A_20 : vector<10112x64xf32>
    %ge3A = arith.constant 0.000000e+00 : f32
    %ge3A_22 = vector.broadcast %ge3A : f32 to vector<10112x64xf32>
    %ge3A_23 = arith.cmpf oge, %add3A_21, %ge3A_22 : vector<10112x64xf32>
    %mul3A_24 = arith.constant 0.00999999977 : f32
    %mul3A_25 = vector.broadcast %mul3A_24 : f32 to vector<10112x64xf32>
    %mul3A_26 = arith.mulf %mul3A_25, %add3A_21 : vector<10112x64xf32>
    %select_n3A = arith.select %ge3A_23, %add3A_21, %mul3A_26 : vector<10112x64xi1>, vector<10112x64xf32>
    %swap3A = arith.constant 0 : index
    %swap3A_27 = arith.constant 0 : index
    %swap3A_28 = vector.load %arg4[%swap3A, %swap3A_27] : memref<10112x64xf32, #tpu.memory_space<vmem>>, vector<10112x64xf32>
    tpu.vector_store %arg4[%swap3A, %swap3A_27], %select_n3A {strides = array<i32>} : memref<10112x64xf32, #tpu.memory_space<vmem>>, vector<10112x64xf32>,
    return
  }
}

</mosaic_0001>

<sc_bundles>
// kernel: kernel.11.cloned.1.call-start
scs
__scs_entry_jumppad:
0x0: {  	(pc) =	sbr.rel $0x88, $3  }
0x1: {  	(tag) =	ssettag $0x0;
	lr =	simm.s32 $0x1  }
0x2: {  	[smem:$0x3F9B] =	sst lr;
	_ =	strace $0xD0000000  }
0x3: {  	_ = 	snop  }
0x4: {  	_ = 	snop  }
0x5: {  	_ = 	snop  }
0x6: {  	_ = 	snop  }
0x7: {  	_ = 	snop  }
__scs_overlays_trampoline_lowered:
0x8: {  	[smem:$0x3FAA] =	sst s0  }
0x9: {  	[smem:$0x3FAB] =	sst s1  }
0xa: {  	[smem:$0x3FAC] =	sst s2  }
0xb: {  	[smem:$0x3FAD] =	sst s3  }
0xc: {  	[smem:$0x3FAE] =	sst s4  }
0xd: {  	[smem:$0x3FAF] =	sst s5  }
0xe: {  	[smem:$0x3FB0] =	sst s6  }
0xf: {  	[smem:$0x3FB1] =	sst s7  }
0x10: {  	[smem:$0x3FB2] =	sst s8  }
0x11: {  	[smem:$0x3FB3] =	sst s9;
	s0 =	simm.s32 @!p0 $0x0  }
0x12: {  	s1 =	sld [smem:$0x3F99];
	s0 =	simm.s32 @p0 $0x1  }
0x13: {  	[smem:$0x3FB4] =	sst s0;
	s0 =	simm.s32 @!p1 $0x0  }
0x14: {  	s2 =	sld [smem:$0x3F98];
	s0 =	simm.s32 @p1 $0x1  }
0x15: {  	[smem:$0x3FB5] =	sst s0;
	s0 =	simm.s32 @!p2 $0x0  }
0x16: {  	s3 =	sld [smem:$0x3FDB];
	s0 =	simm.s32 @p2 $0x1  }
0x17: {  	s4 =	simm.s32 $0x1BF5;
	[smem:$0x3FB7] =	sst s0  }
0x18: {  	s0 =	sld [smem:$0x3F9A];
	_ =	swait.ge [sflag:s4], $0x0  }
0x19: {  	s7 =	sld [smem:$0x3F9B]  }
0x1a: {  	s8 =	sadd.s32 $0xFFFFE003, lr  }
0x1b: {  	s9 =	sadd.s32 $0xFFFFFEF7, lr;
	s5 =	simm.s32 $0xFFFFFFFF;
	p2 =	slt.u32 s8, $0xFFFFF086  }
0x1c: {  	p1 =	slt.u32 s9, $0xF7A;
	s5 =	simm.s32 @!p2 $0x0  }
0x1d: {  	s5 =	simm.s32 @p1 $0x1;
	p0 =	seq.s32 s7, s2  }
0x1e: {  	s7 =	smul.u32 @!p0 $0xF7A, s2;
	p2 =	seq.s32 @!p0 s5, $0x0  }
0x1f: {  	s9 =	smul.u32 $0xF7A, s1;
	s8 =	simm.s32 @!p0 $0x1BF5;
	p2 =	por !p2, p0  }
0x20: {  	[sflag:s8] =	ssyncset.s32 @!p0 $0xFFFFF086;
	s6 =	sadd.s32 @!p0 s3, s7;
	s7 =	simm.s32 @!p0 $0x108  }
0x21: {  	s3 =	sadd.s32 s3, s9;
	s6 =	sadd.s32 @!p0 $0x88, s6;
	s7 =	simm.s32 @p2 $0x1082  }
0x22: {  	[simem:s7], [sflag:s8] =	dma.local @!p0 [hbm:s6], $0xF7A  }
0x23: {  	s9 =	sor.u32 $0xD0000000, s2;
	s6 =	simm.s32 $0x108;
	_ =	swait.ge @!p0 [sflag:s8], $0x0  }
0x24: {  	s3 =	sadd.s32 $0x88, s3;
	s6 =	simm.s32 @!p1 $0x1082;
	[sflag:s4] =	ssyncset.s32 $0xFFFFF086  }
0x25: {  	[simem:s6], [sflag:s4] =	dma.local [hbm:s3], $0xF7A  }
0x26: {  	[smem:$0x3F9B] =	sst s1;
	(tag) =	ssettag s2;
	_ =	strace s9  }
0x27: {  	s1 =	sld [smem:$0x3FAB]  }
0x28: {  	s2 =	sld [smem:$0x3FAC]  }
0x29: {  	s4 =	sld [smem:$0x3FAE]  }
0x2a: {  	p0 =	seq.s32 s5, $0x0;
	s5 =	sld [smem:$0x3FAF]  }
0x2b: {  	s6 =	sld [smem:$0x3FB0]  }
0x2c: {  	s7 =	sld [smem:$0x3FB1]  }
0x2d: {  	s3 =	simm.s32 $0x108;
	s8 =	sld [smem:$0x3FB2]  }
0x2e: {  	s3 =	simm.s32 @!p0 $0x1082;
	s9 =	sld [smem:$0x3FB3]  }
0x2f: {  	lr =	sadd.s32 s0, s3;
	s0 =	sld [smem:$0x3FAA]  }
0x30: {  	s3 =	sld [smem:$0x3FAD]  }
0x31: {  	[smem:$0x3FB6] =	sst s10  }
0x32: {  	s10 =	sld [smem:$0x3FB4];
	_ =	sdelay $0x3  }
0x33: {  	p0 =	seq.s32 s10, $0x1;
	s10 =	sld [smem:$0x3FB6];
	_ =	sdelay $0x3  }
0x34: {  	[smem:$0x3FB6] =	sst s10  }
0x35: {  	s10 =	sld [smem:$0x3FB5];
	_ =	sdelay $0x3  }
0x36: {  	p1 =	seq.s32 s10, $0x1;
	s10 =	sld [smem:$0x3FB6];
	_ =	sdelay $0x3  }
0x37: {  	[smem:$0x3FB6] =	sst s10  }
0x38: {  	s10 =	sld [smem:$0x3FB7]  }
0x39: {  	_ = 	snop;
	(pc) =	sbr.ind lr, $3  }
0x3a: {  	_ = 	snop  }
0x3b: {  	_ = 	snop  }
0x3c: {  	p2 =	seq.s32 s10, $0x1;
	s10 =	sld [smem:$0x3FB6]  }
0x3d: {  	_ =	shalt  }
0x3e: {  	_ =	shalt  }
0x3f: {  	_ =	shalt  }
0x40: {  	_ =	shalt  }
0x41: {  	_ =	shalt  }
0x42: {  	_ =	shalt  }
0x43: {  	_ =	shalt  }
0x44: {  	_ =	shalt  }
0x45: {  	_ =	shalt  }
0x46: {  	_ =	shalt  }
0x47: {  	_ =	shalt  }
0x48: {  	_ =	shalt  }
0x49: {  	_ =	shalt  }
0x4a: {  	_ =	shalt  }
0x4b: {  	_ =	shalt  }
0x4c: {  	_ =	shalt  }
0x4d: {  	_ =	shalt  }
0x4e: {  	_ =	shalt  }
0x4f: {  	_ =	shalt  }
0x50: {  	_ =	shalt  }
0x51: {  	_ =	shalt  }
0x52: {  	_ =	shalt  }
0x53: {  	_ =	shalt  }
0x54: {  	_ =	shalt  }
0x55: {  	_ =	shalt  }
0x56: {  	_ =	shalt  }
0x57: {  	_ =	shalt  }
0x58: {  	_ =	shalt  }
0x59: {  	_ =	shalt  }
0x5a: {  	_ =	shalt  }
0x5b: {  	_ =	shalt  }
0x5c: {  	_ =	shalt  }
0x5d: {  	_ =	shalt  }
0x5e: {  	_ =	shalt  }
0x5f: {  	_ =	shalt  }
0x60: {  	_ =	shalt  }
0x61: {  	_ =	shalt  }
0x62: {  	_ =	shalt  }
0x63: {  	_ =	shalt  }
0x64: {  	_ =	shalt  }
0x65: {  	_ =	shalt  }
0x66: {  	_ =	shalt  }
0x67: {  	_ =	shalt  }
0x68: {  	_ =	shalt  }
0x69: {  	_ =	shalt  }
0x6a: {  	_ =	shalt  }
0x6b: {  	_ =	shalt  }
0x6c: {  	_ =	shalt  }
0x6d: {  	_ =	shalt  }
0x6e: {  	_ =	shalt  }
0x6f: {  	_ =	shalt  }
0x70: {  	_ =	shalt  }
0x71: {  	_ =	shalt  }
0x72: {  	_ =	shalt  }
0x73: {  	_ =	shalt  }
0x74: {  	_ =	shalt  }
0x75: {  	_ =	shalt  }
0x76: {  	_ =	shalt  }
0x77: {  	_ =	shalt  }
0x78: {  	_ =	shalt  }
0x79: {  	_ =	shalt  }
0x7a: {  	_ =	shalt  }
0x7b: {  	_ =	shalt  }
0x7c: {  	_ =	shalt  }
0x7d: {  	_ =	shalt  }
0x7e: {  	_ =	shalt  }
0x7f: {  	_ =	shalt  }
0x80: {  	_ =	shalt  }
0x81: {  	_ =	shalt  }
0x82: {  	_ =	shalt  }
0x83: {  	_ =	shalt  }
0x84: {  	_ =	shalt  }
0x85: {  	_ =	shalt  }
0x86: {  	_ =	shalt  }
0x87: {  	_ =	shalt  }
.Lfunc_end0:
.L_simem_size_0:
called_computation.1_lowered:
.L_overlay_start_0:
0x88: {  	s2 =	sld [smem:$0x3FD9]  }
0x89: {  	s3 =	sld [smem:$0x3FFE];
	_ =	sdelay $0x1  }
0x8a: {  	s1 =	srdreg.scid  }
0x8b: {  	s0 =	sand.u32 $0x1, s1  }
0x8c: {  	s17 =	sshll.u32 s0, $0xA;
	s2 =	sadd.s32 s3, s2  }
0x8d: {  	s2 =	sadd.s32 s2, s17  }
0x8e: {  	[smem:$0x3FC2] =	sst s2  }
0x8f: {  	_ = 	snop  }
0x90: {  	s2 =	sld [smem:$0x3FD0];
	(tm) =	ssettm $0x1  }
0x91: {  	s18 =	sld [smem:$0x3FFB];
	_ =	sdelay $0x3  }
0x92: {  	_ =	strace s18  }
0x93: {  	s3 =	sld [smem:$0x3FFC];
	_ =	sdelay $0x3  }
0x94: {  	_ =	strace s3  }
0x95: {  	s3 =	sld [smem:$0x3FFD];
	_ =	sdelay $0x3  }
0x96: {  	_ =	strace s3  }
0x97: {  	_ =	strace $0x8FFFFFFF  }
0x98: {  	s19 =	sld [smem:$0x3FDB];
	_ =	sdelay $0x1  }
0x99: {  	s4 =	simm.s32 $_scs_section_size  }
0x9a: {  	s5 =	simm.s32 $_size__tile_overlayer_lowered;
	s6 =	simm.s32 $_tile_overlayer_lowered  }
0x9b: {  	s22 =	simm.s32 $0x1BFF;
	s21 =	sshll.u32 s6, $0x1;
	s3 =	sadd.s32 s4, s19  }
0x9c: {  	s7 =	simm.s32 $0x0;
	s20 =	sshll.u32 s5, $0x1;
	s5 =	sadd.s32 s21, s3  }
0x9d: {  	[timem:s7], [sflag:s22] =	dma.local [hbm:s5], s20  }
0x9e: {  	_ =	swait.ge [sflag:s22], s20  }
0x9f: {  	s4 =	ssub.s32 $0x0, s20;
	[sflag:s22] =	ssyncset.done $0x0  }
0xa0: {  	[sflag:s22] =	ssyncadd.s32 s4;
	_ =	sdelay $0x1  }
0xa1: {  	s23 =	simm.s32 $0x1B8B  }
0xa2: {  	_ =	swait.ge [sflag:s23], $0x1  }
0xa3: {  	[sflag:s23] =	ssyncset.done $0x0  }
0xa4: {  	s25 =	simm.s32 $0x1B8E;
	s24 =	sld [smem:$0x3FFE];
	[sflag:s23] =	ssyncadd.s32 $0xFFFFFFFF  }
0xa5: {  	s26 =	simm.s32 $execute0_lowered;
	[smem:$0x3FD2] =	sst s25  }
0xa6: {  	s5 =	sshll.u32 s26, $0x1;
	_ =	strace $0x80000049;
	[dreg:$0x1] =	wrdreg $0xFFFFFFFF  }
0xa7: {  	s28 =	simm.s32 $_size_execute0_lowered;
	s3 =	sadd.s32 s3, s5;
	[dreg:$0x0] =	wrdreg $0x0  }
0xa8: {  	s5 =	sshll.u32 s28, $0x1;
	[dreg:$0x2] =	wrdreg s3  }
0xa9: {  	[dreg:$0x3] =	wrdreg s5  }
0xaa: {  	[dreg:$0x4] =	wrdreg $0xC0  }
0xab: {  	_ =	task [dreg:s7], $0x5FFFF  }
0xac: {  	[dreg:$0x1] =	wrdreg $0xFFFFFFFF  }
0xad: {  	[dreg:$0x0] =	wrdreg $0x60  }
0xae: {  	[dreg:$0x2] =	wrdreg s24  }
0xaf: {  	[dreg:$0x3] =	wrdreg s2  }
0xb0: {  	[dreg:$0x4] =	wrdreg $0x14F000  }
0xb1: {  	[dreg:$0x5] =	wrdreg $0xB1000  }
0xb2: {  	[dreg:$0x6] =	wrdreg $0x9  }
0xb3: {  	_ =	task.clear_ibuf [dreg:s7], $0x7FFFF;
	_ =	strace $0x90000049  }
0xb4: {  	s29 =	simm.s32 $0x9;
	_ =	strace $0x8000004B  }
0xb5: {  	_ =	swait.ge [sflag:s29], $0x1  }
0xb6: {  	[sflag:s29] =	ssyncadd.s32 $0xFFFFFFFF  }
0xb7: {  	_ =	strace $0x9000004B  }
0xb8: {  	_ =	sfence  }
0xb9: {  	s30 =	sld [smem:$0x0];
	_ =	sdelay $0x2  }
0xba: {  	s31 =	sshll.u32 s1, $0xD;
	s1 =	sshrl.u32 s1, $0x2  }
0xbb: {  	s3 =	sand.u32 $0x4000, s31;
	s1 =	sadd.s32 s1, s30  }
0xbc: {  	s0 =	sor.u32 s3, s0;
	s1 =	sshll.u32 s1, $0x11  }
0xbd: {  	s0 =	sor.u32 s1, s0  }
0xbe: {  	s0 =	sadd.s32 $0x8F2B, s0  }
0xbf: {  	[sflag:s0] =	ssyncadd.remote.s32 $0x1  }
0xc0: {  	_ =	sfence.sel $0xFFFF  }
0xc1: {  	[dreg:$0x0] =	wrdreg $0xFFFFFFFF;
	(pc) =	sbr.abs _section_cstart, $3  }
0xc2: {  	[dreg:$0x1] =	wrdreg $0xFFFFFFFF  }
0xc3: {  	_ =	task.clear_ibuf [dreg:s7], $0x2FFFF;
	_ =	strace $0x9FFFFFFF  }
0xc4: {  	(tm) =	ssettm $0x7FFFFFFF  }
0xc5: {  	_ =	shalt  }
tec
execute0_lowered:
.L_overlay_start_1:
0x0: {  	(tag) =	ssettag $0x1  }
0x1: {  	s0 =	rddreg [dreg:$0x0]  }
0x2: {  	s1 =	rddreg [dreg:$0x1]  }
0x3: {  	s2 =	rddreg [dreg:$0x2]  }
0x4: {  	s3 =	rddreg [dreg:$0x3]  }
0x5: {  	s5 =	srdreg.scid;
	s11 =	stileid.u32  }
0x6: {  	s4 =	simm.s32 $0x0;
	s15 =	simm.s32 $0x7;
	s17 =	simm.s32 $0x2880  }
0x7: {  	s18 =	simm.s32 $0x80;
	s19 =	simm.s32 $0x5100;
	s28 =	simm.s32 $0x180  }
0x8: {  	s29 =	simm.s32 $0x3;
	s30 =	simm.s32 $0x2980;
	s31 =	simm.s32 $0x5  }
0x9: {  	s5 =	sand.u32 $0x1, s5;
	s7 =	smul.u32 $0x9E00, s11;
	[smem:$0x7FF] =	sst s4  }
0xa: {  	s8 =	sadd.s32 $0x1B600, s0;
	s9 =	sadd.s32 $0x11400, s0;
	s20 =	smul.u32 $0x5100, s11  }
0xb: {  	s11 =	sshll.u32 s11, $0x6;
	s6 =	smul.u32 $0x9E000, s5;
	s5 =	ssub.s32 $0x2, s5  }
0xc: {  	_ =	strace $0x8000004A;
	s10 =	sshrl.u32 s5, $0x1;
	s14 =	sadd.s32 s7, s2  }
0xd: {  	s21 =	sshrl.u32 s7, $0x3;
	s22 =	sshrl.u32 s20, $0x3;
	s20 =	simm.s32 $0x7100  }
0xe: {  	s6 =	sadd.s32 s7, s6;
	s5 =	ssub.s32 s5, s10;
	s1 =	sadd.s32 s1, s21  }
0xf: {  	s7 =	sadd.s32 s7, s3;
	s24 =	sadd.s32 $0x510, s22;
	s25 =	sadd.s32 s8, s22  }
0x10: {  	s14 =	sshrl.u32 s14, $0x3;
	s21 =	simm.s32 $0x100;
	[dreg:$0x5] =	wrdreg s1  }
0x11: {  	s6 =	sshrl.u32 s6, $0x3;
	[dreg:$0x7] =	wrdreg s25;
	s1 =	sadd.s32 s9, s22  }
0x12: {  	s26 =	sadd.s32 s8, s24;
	s13 =	smax.u32 s5, $0x1;
	s16 =	sshrl.u32 s7, $0x3  }
0x13: {  	s22 =	simm.s32 $0x9100;
	s25 =	simm.s32 $0x2900;
	s5 =	simm.s32 $0x5080  }
.Ltmp0:
0x14: {  	s7 =	simm.s32 $0x0;
	[dreg:$0x8] =	wrdreg s1;
	(pc) =	sbr.rel .LBB2_1-.Ltmp0, $4  }
0x15: {  	s0 =	sadd.s32 s6, s0;
	s6 =	sor.u32 $0x1C07, s11;
	[dreg:$0x9] =	wrdreg s26  }
0x16: {  	s11 =	sadd.s32 s9, s24;
	s24 =	simm.s32 $0x2;
	s26 =	simm.s32 $0x4  }
0x17: {  	s1 =	simm.s32 $0x6;
	s23 =	sadd.s32 $0x9C000, s0;
	s12 =	sadd.s32 $0xC3800, s0  }
0x18: {  	s0 =	simm.s32 $0x200;
	[dreg:$0x6] =	wrdreg s23;
	s23 =	simm.s32 $0x1  }
.LBB2_7:
0x19: {  	_ =	swait.ge [sflag:s29], $0x2000  }
0x1a: {  	[sflag:s29] =	ssyncset.done $0x0  }
0x1b: {  	[sflag:s29] =	ssyncadd.s32 $0xFFFFE000  }
0x1c: {  	[spmem:s2] =	stream.indirect.scatter.add.f32 [tilespmem:s22], [sflag:$0x6], $0x40, s5, s18, $0xb8;
	[tilespmem:$0x1ED00] =	vst v63  }
0x1d: {  	_ =	swait.ge [sflag:s26], $0x2000  }
0x1e: {  	[sflag:s26] =	ssyncset.done $0x0  }
0x1f: {  	[sflag:s26] =	ssyncadd.s32 $0xFFFFE000  }
0x20: {  	_ =	swait.ge [sflag:s31], $0x2000  }
0x21: {  	[sflag:s31] =	ssyncset.done $0x0  }
0x22: {  	[sflag:s31] =	ssyncadd.s32 $0xFFFFE000  }
0x23: {  	_ =	swait.ge [sflag:s1], $0x2000  }
0x24: {  	s7 =	sadd.s32 $0x1, s7;
	[sflag:s1] =	ssyncset.done $0x0  }
0x25: {  	p0 =	sne.s32 s7, s13;
	[sflag:s1] =	ssyncadd.s32 $0xFFFFE000  }
.Ltmp1:
0x26: {  	[bflag:$0x0] =	sbarrier.arrive $0xFFFF;
	(pc) =	sbr.rel @!p0 .LBB2_8-.Ltmp1, $4  }
0x27: {  	[hbm:s12], [sflag:s6] =	dma.local [spmem:s14], $0x13C0  }
0x28: {  	_ =	swait.ge [sflag:s15], $0x13C0  }
0x29: {  	[sflag:s15] =	ssyncset.done $0x0  }
0x2a: {  	[sflag:s15] =	ssyncadd.s32 $0xFFFFEC40  }
.LBB2_1:
0x2b: {  	s8 =	rddreg [dreg:$0x5]  }
0x2c: {  	[spmem:s14], [sflag:s6] =	dma.local [hbm:s8], $0x13C0  }
0x2d: {  	_ =	swait.ge [sflag:s15], $0x13C0  }
0x2e: {  	[sflag:s15] =	ssyncset.done $0x0  }
0x2f: {  	s10 =	rddreg [dreg:$0x6];
	[sflag:s15] =	ssyncadd.s32 $0xFFFFEC40  }
0x30: {  	[spmem:s16], [sflag:s6] =	dma.local [hbm:s10], $0x13C0  }
0x31: {  	_ =	swait.ge [sflag:s15], $0x13C0  }
0x32: {  	[sflag:s15] =	ssyncset.done $0x0  }
0x33: {  	[sflag:s15] =	ssyncadd.s32 $0xFFFFEC40  }
0x34: {  	[bflag:$0x0] =	sbarrier.arrive $0xFFFF  }
0x35: {  	s9 =	rddreg [dreg:$0x7]  }
0x36: {  	[tilespmem:s4], [sflag:$0x7] =	stream.linear.gather [hbm4b:s9+s4], $0x2880, $0x38;
	[tilespmem:$0x1ED00] =	vst v63  }
0x37: {  	_ =	swait.ge [sflag:s15], $0x2880  }
0x38: {  	[sflag:s15] =	ssyncset.done $0x0  }
0x39: {  	s10 =	rddreg [dreg:$0x8];
	[sflag:s15] =	ssyncadd.s32 $0xFFFFD780  }
0x3a: {  	[tilespmem:s17], [sflag:$0x7] =	stream.linear.gather [hbm4b:s10+s4], $0x2880, $0x38;
	[tilespmem:$0x1ED00] =	vst v63  }
0x3b: {  	_ =	swait.ge [sflag:s15], $0x2880  }
0x3c: {  	[sflag:s15] =	ssyncset.done $0x0  }
0x3d: {  	[sflag:s15] =	ssyncadd.s32 $0xFFFFD780  }
0x3e: {  	[tilespmem:s19], [sflag:$0x1] =	stream.indirect.gather [spmem:s3], $0x40, s4, s18, $0xb8;
	[tilespmem:$0x1ED00] =	vst v63  }
0x3f: {  	_ = 	snop  }
0x40: {  	[tilespmem:s20], [sflag:$0x2] =	stream.indirect.gather [spmem:s3], $0x40, s18, s18, $0xb8;
	[tilespmem:$0x1ED00] =	vst v63  }
0x41: {  	_ = 	snop  }
0x42: {  	[tilespmem:s22], [sflag:$0x3] =	stream.indirect.gather [spmem:s3], $0x40, s21, s18, $0xb8;
	[tilespmem:$0x1ED00] =	vst v63  }
0x43: {  	_ =	swait.ge [sflag:s23], $0x2000  }
0x44: {  	[sflag:s23] =	ssyncset.done $0x0  }
0x45: {  	[sflag:s23] =	ssyncadd.s32 $0xFFFFE000  }
0x46: {  	[spmem:s2] =	stream.indirect.scatter.add.f32 [tilespmem:s19], [sflag:$0x4], $0x40, s17, s18, $0xb8;
	[tilespmem:$0x1ED00] =	vst v63  }
0x47: {  	_ =	swait.ge [sflag:s24], $0x2000  }
0x48: {  	[sflag:s24] =	ssyncset.done $0x0  }
0x49: {  	[sflag:s24] =	ssyncadd.s32 $0xFFFFE000  }
0x4a: {  	[spmem:s2] =	stream.indirect.scatter.add.f32 [tilespmem:s20], [sflag:$0x5], $0x40, s25, s18, $0xb8;
	[tilespmem:$0x1ED00] =	vst v63  }
0x4b: {  	_ =	swait.ge [sflag:s26], $0x2000  }
0x4c: {  	[sflag:s26] =	ssyncset.done $0x0  }
0x4d: {  	[sflag:s26] =	ssyncadd.s32 $0xFFFFE000  }
0x4e: {  	[tilespmem:s19], [sflag:$0x1] =	stream.indirect.gather [spmem:s3], $0x40, s28, s18, $0xb8;
	[tilespmem:$0x1ED00] =	vst v63  }
0x4f: {  	_ =	swait.ge [sflag:s29], $0x2000  }
0x50: {  	[sflag:s29] =	ssyncset.done $0x0  }
0x51: {  	[sflag:s29] =	ssyncadd.s32 $0xFFFFE000  }
0x52: {  	[spmem:s2] =	stream.indirect.scatter.add.f32 [tilespmem:s22], [sflag:$0x6], $0x40, s30, s18, $0xb8;
	[tilespmem:$0x1ED00] =	vst v63  }
0x53: {  	_ =	swait.ge [sflag:s31], $0x2000  }
0x54: {  	[sflag:s31] =	ssyncset.done $0x0  }
0x55: {  	s8 =	simm.s32 $0x0;
	[sflag:s31] =	ssyncadd.s32 $0xFFFFE000  }
0x56: {  	[tilespmem:s20], [sflag:$0x2] =	stream.indirect.gather [spmem:s3], $0x40, s0, s18, $0xb8;
	[tilespmem:$0x1ED00] =	vst v63  }
.LBB2_2:
0x57: {  	_ =	swait.ge [sflag:s23], $0x2000  }
0x58: {  	s9 =	sshra.s32 s8, $0x2;
	[sflag:s23] =	ssyncset.done $0x0  }
0x59: {  	s10 =	sadd.s32 $0x2A00, s9;
	[sflag:s23] =	ssyncadd.s32 $0xFFFFE000  }
0x5a: {  	[spmem:s2] =	stream.indirect.scatter.add.f32 [tilespmem:s19], [sflag:$0x4], $0x40, s10, s18, $0xb8;
	[tilespmem:$0x1ED00] =	vst v63  }
0x5b: {  	_ =	swait.ge [sflag:s1], $0x2000  }
0x5c: {  	[sflag:s1] =	ssyncset.done $0x0  }
0x5d: {  	p0 =	seq.s32 s8, $0x9600;
	s10 =	sadd.s32 $0x280, s9;
	[sflag:s1] =	ssyncadd.s32 $0xFFFFE000  }
0x5e: {  	[tilespmem:s22], [sflag:$0x3] =	stream.indirect.gather [spmem:s3], $0x40, s10, s18, $0xb8;
	[tilespmem:$0x1ED00] =	vst v63  }
.Ltmp2:
0x5f: {  	_ = 	snop;
	(pc) =	sbr.rel @p0 .LBB2_4-.Ltmp2, $4  }
0x60: {  	_ =	swait.ge [sflag:s24], $0x2000  }
0x61: {  	[sflag:s24] =	ssyncset.done $0x0  }
0x62: {  	s10 =	sadd.s32 $0x2A80, s9;
	[sflag:s24] =	ssyncadd.s32 $0xFFFFE000  }
0x63: {  	[spmem:s2] =	stream.indirect.scatter.add.f32 [tilespmem:s20], [sflag:$0x5], $0x40, s10, s18, $0xb8;
	[tilespmem:$0x1ED00] =	vst v63  }
0x64: {  	_ =	swait.ge [sflag:s26], $0x2000  }
0x65: {  	[sflag:s26] =	ssyncset.done $0x0  }
0x66: {  	s10 =	sadd.s32 $0x300, s9;
	[sflag:s26] =	ssyncadd.s32 $0xFFFFE000  }
0x67: {  	[tilespmem:s19], [sflag:$0x1] =	stream.indirect.gather [spmem:s3], $0x40, s10, s18, $0xb8;
	[tilespmem:$0x1ED00] =	vst v63  }
0x68: {  	_ =	swait.ge [sflag:s29], $0x2000  }
0x69: {  	[sflag:s29] =	ssyncset.done $0x0  }
0x6a: {  	s10 =	sadd.s32 $0x2B00, s9;
	[sflag:s29] =	ssyncadd.s32 $0xFFFFE000  }
0x6b: {  	[spmem:s2] =	stream.indirect.scatter.add.f32 [tilespmem:s22], [sflag:$0x6], $0x40, s10, s18, $0xb8;
	[tilespmem:$0x1ED00] =	vst v63  }
.Ltmp3:
0x6c: {  	_ = 	snop;
	(pc) =	sbr.rel .LBB2_2-.Ltmp3, $4  }
0x6d: {  	_ =	swait.ge [sflag:s31], $0x2000  }
0x6e: {  	[sflag:s31] =	ssyncset.done $0x0  }
0x6f: {  	s8 =	sadd.s32 $0x600, s8;
	s10 =	sadd.s32 $0x380, s9;
	[sflag:s31] =	ssyncadd.s32 $0xFFFFE000  }
0x70: {  	[tilespmem:s20], [sflag:$0x2] =	stream.indirect.gather [spmem:s3], $0x40, s10, s18, $0xb8;
	[tilespmem:$0x1ED00] =	vst v63  }
.LBB2_4:
0x71: {  	_ =	swait.ge [sflag:s29], $0x2000  }
0x72: {  	[sflag:s29] =	ssyncset.done $0x0  }
0x73: {  	[sflag:s29] =	ssyncadd.s32 $0xFFFFE000  }
0x74: {  	[spmem:s2] =	stream.indirect.scatter.add.f32 [tilespmem:s22], [sflag:$0x6], $0x40, s5, s18, $0xb8;
	[tilespmem:$0x1ED00] =	vst v63  }
0x75: {  	_ =	swait.ge [sflag:s26], $0x2000  }
0x76: {  	[sflag:s26] =	ssyncset.done $0x0  }
0x77: {  	[sflag:s26] =	ssyncadd.s32 $0xFFFFE000  }
0x78: {  	_ =	swait.ge [sflag:s31], $0x2000  }
0x79: {  	[sflag:s31] =	ssyncset.done $0x0  }
0x7a: {  	[sflag:s31] =	ssyncadd.s32 $0xFFFFE000  }
0x7b: {  	_ =	swait.ge [sflag:s1], $0x2000  }
0x7c: {  	[sflag:s1] =	ssyncset.done $0x0  }
0x7d: {  	s8 =	simm.s32 $0x0;
	s9 =	rddreg [dreg:$0x9];
	[sflag:s1] =	ssyncadd.s32 $0xFFFFE000  }
0x7e: {  	[tilespmem:s8], [sflag:$0x7] =	stream.linear.gather [hbm4b:s9+s8], $0x2880, $0x38;
	[tilespmem:$0x1ED00] =	vst v63  }
0x7f: {  	_ =	swait.ge [sflag:s15], $0x2880  }
0x80: {  	[sflag:s15] =	ssyncset.done $0x0  }
0x81: {  	[sflag:s15] =	ssyncadd.s32 $0xFFFFD780  }
0x82: {  	[tilespmem:s17], [sflag:$0x7] =	stream.linear.gather [hbm4b:s11+s8], $0x2880, $0x38;
	[tilespmem:$0x1ED00] =	vst v63  }
0x83: {  	_ =	swait.ge [sflag:s15], $0x2880  }
0x84: {  	[sflag:s15] =	ssyncset.done $0x0  }
0x85: {  	[sflag:s15] =	ssyncadd.s32 $0xFFFFD780  }
0x86: {  	[tilespmem:s19], [sflag:$0x1] =	stream.indirect.gather [spmem:s3], $0x40, s8, s18, $0xb8;
	[tilespmem:$0x1ED00] =	vst v63  }
0x87: {  	_ = 	snop  }
0x88: {  	[tilespmem:s20], [sflag:$0x2] =	stream.indirect.gather [spmem:s3], $0x40, s18, s18, $0xb8;
	[tilespmem:$0x1ED00] =	vst v63  }
0x89: {  	_ = 	snop  }
0x8a: {  	[tilespmem:s22], [sflag:$0x3] =	stream.indirect.gather [spmem:s3], $0x40, s21, s18, $0xb8;
	[tilespmem:$0x1ED00] =	vst v63  }
0x8b: {  	_ =	swait.ge [sflag:s23], $0x2000  }
0x8c: {  	[sflag:s23] =	ssyncset.done $0x0  }
0x8d: {  	[sflag:s23] =	ssyncadd.s32 $0xFFFFE000  }
0x8e: {  	[spmem:s2] =	stream.indirect.scatter.add.f32 [tilespmem:s19], [sflag:$0x4], $0x40, s17, s18, $0xb8;
	[tilespmem:$0x1ED00] =	vst v63  }
0x8f: {  	_ =	swait.ge [sflag:s24], $0x2000  }
0x90: {  	[sflag:s24] =	ssyncset.done $0x0  }
0x91: {  	[sflag:s24] =	ssyncadd.s32 $0xFFFFE000  }
0x92: {  	[spmem:s2] =	stream.indirect.scatter.add.f32 [tilespmem:s20], [sflag:$0x5], $0x40, s25, s18, $0xb8;
	[tilespmem:$0x1ED00] =	vst v63  }
0x93: {  	_ =	swait.ge [sflag:s26], $0x2000  }
0x94: {  	[sflag:s26] =	ssyncset.done $0x0  }
0x95: {  	[sflag:s26] =	ssyncadd.s32 $0xFFFFE000  }
0x96: {  	[tilespmem:s19], [sflag:$0x1] =	stream.indirect.gather [spmem:s3], $0x40, s28, s18, $0xb8;
	[tilespmem:$0x1ED00] =	vst v63  }
0x97: {  	_ =	swait.ge [sflag:s29], $0x2000  }
0x98: {  	[sflag:s29] =	ssyncset.done $0x0  }
0x99: {  	[sflag:s29] =	ssyncadd.s32 $0xFFFFE000  }
0x9a: {  	[spmem:s2] =	stream.indirect.scatter.add.f32 [tilespmem:s22], [sflag:$0x6], $0x40, s30, s18, $0xb8;
	[tilespmem:$0x1ED00] =	vst v63  }
0x9b: {  	_ =	swait.ge [sflag:s31], $0x2000  }
0x9c: {  	[sflag:s31] =	ssyncset.done $0x0  }
0x9d: {  	[sflag:s31] =	ssyncadd.s32 $0xFFFFE000  }
0x9e: {  	[tilespmem:s20], [sflag:$0x2] =	stream.indirect.gather [spmem:s3], $0x40, s0, s18, $0xb8;
	[tilespmem:$0x1ED00] =	vst v63  }
.LBB2_5:
0x9f: {  	_ =	swait.ge [sflag:s23], $0x2000  }
0xa0: {  	s9 =	sshra.s32 s8, $0x2;
	[sflag:s23] =	ssyncset.done $0x0  }
0xa1: {  	s10 =	sadd.s32 $0x2A00, s9;
	[sflag:s23] =	ssyncadd.s32 $0xFFFFE000  }
0xa2: {  	[spmem:s2] =	stream.indirect.scatter.add.f32 [tilespmem:s19], [sflag:$0x4], $0x40, s10, s18, $0xb8;
	[tilespmem:$0x1ED00] =	vst v63  }
0xa3: {  	_ =	swait.ge [sflag:s1], $0x2000  }
0xa4: {  	[sflag:s1] =	ssyncset.done $0x0  }
0xa5: {  	p0 =	seq.s32 s8, $0x9600;
	s10 =	sadd.s32 $0x280, s9;
	[sflag:s1] =	ssyncadd.s32 $0xFFFFE000  }
0xa6: {  	[tilespmem:s22], [sflag:$0x3] =	stream.indirect.gather [spmem:s3], $0x40, s10, s18, $0xb8;
	[tilespmem:$0x1ED00] =	vst v63  }
.Ltmp4:
0xa7: {  	_ = 	snop;
	(pc) =	sbr.rel @p0 .LBB2_7-.Ltmp4, $4  }
0xa8: {  	_ =	swait.ge [sflag:s24], $0x2000  }
0xa9: {  	[sflag:s24] =	ssyncset.done $0x0  }
0xaa: {  	s10 =	sadd.s32 $0x2A80, s9;
	[sflag:s24] =	ssyncadd.s32 $0xFFFFE000  }
0xab: {  	[spmem:s2] =	stream.indirect.scatter.add.f32 [tilespmem:s20], [sflag:$0x5], $0x40, s10, s18, $0xb8;
	[tilespmem:$0x1ED00] =	vst v63  }
0xac: {  	_ =	swait.ge [sflag:s26], $0x2000  }
0xad: {  	[sflag:s26] =	ssyncset.done $0x0  }
0xae: {  	s10 =	sadd.s32 $0x300, s9;
	[sflag:s26] =	ssyncadd.s32 $0xFFFFE000  }
0xaf: {  	[tilespmem:s19], [sflag:$0x1] =	stream.indirect.gather [spmem:s3], $0x40, s10, s18, $0xb8;
	[tilespmem:$0x1ED00] =	vst v63  }
0xb0: {  	_ =	swait.ge [sflag:s29], $0x2000  }
0xb1: {  	[sflag:s29] =	ssyncset.done $0x0  }
0xb2: {  	s10 =	sadd.s32 $0x2B00, s9;
	[sflag:s29] =	ssyncadd.s32 $0xFFFFE000  }
0xb3: {  	[spmem:s2] =	stream.indirect.scatter.add.f32 [tilespmem:s22], [sflag:$0x6], $0x40, s10, s18, $0xb8;
	[tilespmem:$0x1ED00] =	vst v63  }
.Ltmp5:
0xb4: {  	_ = 	snop;
	(pc) =	sbr.rel .LBB2_5-.Ltmp5, $4  }
0xb5: {  	_ =	swait.ge [sflag:s31], $0x2000  }
0xb6: {  	[sflag:s31] =	ssyncset.done $0x0  }
0xb7: {  	s8 =	sadd.s32 $0x600, s8;
	s10 =	sadd.s32 $0x380, s9;
	[sflag:s31] =	ssyncadd.s32 $0xFFFFE000  }
0xb8: {  	[tilespmem:s20], [sflag:$0x2] =	stream.indirect.gather [spmem:s3], $0x40, s10, s18, $0xb8;
	[tilespmem:$0x1ED00] =	vst v63  }
.LBB2_8:
0xb9: {  	_ =	sfence.sel $0x180000  }
0xba: {  	[bflag:$0x0] =	sbarrier.arrive $0xFFFF  }
0xbb: {  	_ =	strace $0x9000004A  }
0xbc: {  	s0 =	stileid.u32;
	[bflag:$0x2] =	sbarrier.arrive $0xFFFF  }
0xbd: {  	p0 =	sne.s32 s0, $0x0;
	s0 =	rddreg [dreg:$0x4]  }
0xbe: {  	s0 =	sadd.s32 @!p0 $0x100000, s0  }
0xbf: {  	[sflag:s0] =	ssyncadd.tile.s32 @!p0 $0x1;
	_ =	shalt  }
.Lfunc_end2:
_tile_overlayer_lowered:
.L_overlay_start_2:
0xc0: {  	(tag) =	ssettag $0x2  }
0xc1: {  	s0 =	rddreg [dreg:$0x0];
	s2 =	stileid.u32  }
0xc2: {  	s1 =	rddreg [dreg:$0x1];
	p0 =	sne.s32 s2, $0x0  }
0xc3: {  	s3 =	rddreg [dreg:$0x2];
	[bflag:$0x3] =	sbarrier.arrive $0xFFFF;
	s2 =	simm.s32 @!p0 $0x1C07  }
0xc4: {  	[timem:s3], [sflag:s2] =	dma.local @!p0 [hbm:s0], s1  }
0xc5: {  	s0 =	simm.s32 @!p0 $0x7  }
0xc6: {  	_ =	swait.ge @!p0 [sflag:s0], s1  }
0xc7: {  	s1 =	ssub.s32 @!p0 $0x0, s1;
	[sflag:s0] =	ssyncset.done @!p0 $0x0  }
0xc8: {  	[sflag:s0] =	ssyncadd.s32 @!p0 s1  }
0xc9: {  	[bflag:$0x3] =	sbarrier.arrive $0xFFFF  }
0xca: {  	_ =	shalt  }

// kernel: kernel.14.cloned.1.call-start
scs
__scs_entry_jumppad:
0x0: {  	(pc) =	sbr.rel $0x88, $3  }
0x1: {  	(tag) =	ssettag $0x0;
	lr =	simm.s32 $0x1  }
0x2: {  	[smem:$0x3F9B] =	sst lr;
	_ =	strace $0xD0000000  }
0x3: {  	_ = 	snop  }
0x4: {  	_ = 	snop  }
0x5: {  	_ = 	snop  }
0x6: {  	_ = 	snop  }
0x7: {  	_ = 	snop  }
__scs_overlays_trampoline_lowered:
0x8: {  	[smem:$0x3FAA] =	sst s0  }
0x9: {  	[smem:$0x3FAB] =	sst s1  }
0xa: {  	[smem:$0x3FAC] =	sst s2  }
0xb: {  	[smem:$0x3FAD] =	sst s3  }
0xc: {  	[smem:$0x3FAE] =	sst s4  }
0xd: {  	[smem:$0x3FAF] =	sst s5  }
0xe: {  	[smem:$0x3FB0] =	sst s6  }
0xf: {  	[smem:$0x3FB1] =	sst s7  }
0x10: {  	[smem:$0x3FB2] =	sst s8  }
0x11: {  	[smem:$0x3FB3] =	sst s9;
	s0 =	simm.s32 @!p0 $0x0  }
0x12: {  	s1 =	sld [smem:$0x3F99];
	s0 =	simm.s32 @p0 $0x1  }
0x13: {  	[smem:$0x3FB4] =	sst s0;
	s0 =	simm.s32 @!p1 $0x0  }
0x14: {  	s2 =	sld [smem:$0x3F98];
	s0 =	simm.s32 @p1 $0x1  }
0x15: {  	[smem:$0x3FB5] =	sst s0;
	s0 =	simm.s32 @!p2 $0x0  }
0x16: {  	s3 =	sld [smem:$0x3FDB];
	s0 =	simm.s32 @p2 $0x1  }
0x17: {  	s4 =	simm.s32 $0x1BF5;
	[smem:$0x3FB7] =	sst s0  }
0x18: {  	s0 =	sld [smem:$0x3F9A];
	_ =	swait.ge [sflag:s4], $0x0  }
0x19: {  	s7 =	sld [smem:$0x3F9B]  }
0x1a: {  	s8 =	sadd.s32 $0xFFFFE003, lr  }
0x1b: {  	s9 =	sadd.s32 $0xFFFFFEF7, lr;
	s5 =	simm.s32 $0xFFFFFFFF;
	p2 =	slt.u32 s8, $0xFFFFF086  }
0x1c: {  	p1 =	slt.u32 s9, $0xF7A;
	s5 =	simm.s32 @!p2 $0x0  }
0x1d: {  	s5 =	simm.s32 @p1 $0x1;
	p0 =	seq.s32 s7, s2  }
0x1e: {  	s7 =	smul.u32 @!p0 $0xF7A, s2;
	p2 =	seq.s32 @!p0 s5, $0x0  }
0x1f: {  	s9 =	smul.u32 $0xF7A, s1;
	s8 =	simm.s32 @!p0 $0x1BF5;
	p2 =	por !p2, p0  }
0x20: {  	[sflag:s8] =	ssyncset.s32 @!p0 $0xFFFFF086;
	s6 =	sadd.s32 @!p0 s3, s7;
	s7 =	simm.s32 @!p0 $0x108  }
0x21: {  	s3 =	sadd.s32 s3, s9;
	s6 =	sadd.s32 @!p0 $0x88, s6;
	s7 =	simm.s32 @p2 $0x1082  }
0x22: {  	[simem:s7], [sflag:s8] =	dma.local @!p0 [hbm:s6], $0xF7A  }
0x23: {  	s9 =	sor.u32 $0xD0000000, s2;
	s6 =	simm.s32 $0x108;
	_ =	swait.ge @!p0 [sflag:s8], $0x0  }
0x24: {  	s3 =	sadd.s32 $0x88, s3;
	s6 =	simm.s32 @!p1 $0x1082;
	[sflag:s4] =	ssyncset.s32 $0xFFFFF086  }
0x25: {  	[simem:s6], [sflag:s4] =	dma.local [hbm:s3], $0xF7A  }
0x26: {  	[smem:$0x3F9B] =	sst s1;
	(tag) =	ssettag s2;
	_ =	strace s9  }
0x27: {  	s1 =	sld [smem:$0x3FAB]  }
0x28: {  	s2 =	sld [smem:$0x3FAC]  }
0x29: {  	s4 =	sld [smem:$0x3FAE]  }
0x2a: {  	p0 =	seq.s32 s5, $0x0;
	s5 =	sld [smem:$0x3FAF]  }
0x2b: {  	s6 =	sld [smem:$0x3FB0]  }
0x2c: {  	s7 =	sld [smem:$0x3FB1]  }
0x2d: {  	s3 =	simm.s32 $0x108;
	s8 =	sld [smem:$0x3FB2]  }
0x2e: {  	s3 =	simm.s32 @!p0 $0x1082;
	s9 =	sld [smem:$0x3FB3]  }
0x2f: {  	lr =	sadd.s32 s0, s3;
	s0 =	sld [smem:$0x3FAA]  }
0x30: {  	s3 =	sld [smem:$0x3FAD]  }
0x31: {  	[smem:$0x3FB6] =	sst s10  }
0x32: {  	s10 =	sld [smem:$0x3FB4];
	_ =	sdelay $0x3  }
0x33: {  	p0 =	seq.s32 s10, $0x1;
	s10 =	sld [smem:$0x3FB6];
	_ =	sdelay $0x3  }
0x34: {  	[smem:$0x3FB6] =	sst s10  }
0x35: {  	s10 =	sld [smem:$0x3FB5];
	_ =	sdelay $0x3  }
0x36: {  	p1 =	seq.s32 s10, $0x1;
	s10 =	sld [smem:$0x3FB6];
	_ =	sdelay $0x3  }
0x37: {  	[smem:$0x3FB6] =	sst s10  }
0x38: {  	s10 =	sld [smem:$0x3FB7]  }
0x39: {  	_ = 	snop;
	(pc) =	sbr.ind lr, $3  }
0x3a: {  	_ = 	snop  }
0x3b: {  	_ = 	snop  }
0x3c: {  	p2 =	seq.s32 s10, $0x1;
	s10 =	sld [smem:$0x3FB6]  }
0x3d: {  	_ =	shalt  }
0x3e: {  	_ =	shalt  }
0x3f: {  	_ =	shalt  }
0x40: {  	_ =	shalt  }
0x41: {  	_ =	shalt  }
0x42: {  	_ =	shalt  }
0x43: {  	_ =	shalt  }
0x44: {  	_ =	shalt  }
0x45: {  	_ =	shalt  }
0x46: {  	_ =	shalt  }
0x47: {  	_ =	shalt  }
0x48: {  	_ =	shalt  }
0x49: {  	_ =	shalt  }
0x4a: {  	_ =	shalt  }
0x4b: {  	_ =	shalt  }
0x4c: {  	_ =	shalt  }
0x4d: {  	_ =	shalt  }
0x4e: {  	_ =	shalt  }
0x4f: {  	_ =	shalt  }
0x50: {  	_ =	shalt  }
0x51: {  	_ =	shalt  }
0x52: {  	_ =	shalt  }
0x53: {  	_ =	shalt  }
0x54: {  	_ =	shalt  }
0x55: {  	_ =	shalt  }
0x56: {  	_ =	shalt  }
0x57: {  	_ =	shalt  }
0x58: {  	_ =	shalt  }
0x59: {  	_ =	shalt  }
0x5a: {  	_ =	shalt  }
0x5b: {  	_ =	shalt  }
0x5c: {  	_ =	shalt  }
0x5d: {  	_ =	shalt  }
0x5e: {  	_ =	shalt  }
0x5f: {  	_ =	shalt  }
0x60: {  	_ =	shalt  }
0x61: {  	_ =	shalt  }
0x62: {  	_ =	shalt  }
0x63: {  	_ =	shalt  }
0x64: {  	_ =	shalt  }
0x65: {  	_ =	shalt  }
0x66: {  	_ =	shalt  }
0x67: {  	_ =	shalt  }
0x68: {  	_ =	shalt  }
0x69: {  	_ =	shalt  }
0x6a: {  	_ =	shalt  }
0x6b: {  	_ =	shalt  }
0x6c: {  	_ =	shalt  }
0x6d: {  	_ =	shalt  }
0x6e: {  	_ =	shalt  }
0x6f: {  	_ =	shalt  }
0x70: {  	_ =	shalt  }
0x71: {  	_ =	shalt  }
0x72: {  	_ =	shalt  }
0x73: {  	_ =	shalt  }
0x74: {  	_ =	shalt  }
0x75: {  	_ =	shalt  }
0x76: {  	_ =	shalt  }
0x77: {  	_ =	shalt  }
0x78: {  	_ =	shalt  }
0x79: {  	_ =	shalt  }
0x7a: {  	_ =	shalt  }
0x7b: {  	_ =	shalt  }
0x7c: {  	_ =	shalt  }
0x7d: {  	_ =	shalt  }
0x7e: {  	_ =	shalt  }
0x7f: {  	_ =	shalt  }
0x80: {  	_ =	shalt  }
0x81: {  	_ =	shalt  }
0x82: {  	_ =	shalt  }
0x83: {  	_ =	shalt  }
0x84: {  	_ =	shalt  }
0x85: {  	_ =	shalt  }
0x86: {  	_ =	shalt  }
0x87: {  	_ =	shalt  }
.Lfunc_end0:
.L_simem_size_0:
called_computation.2_lowered:
.L_overlay_start_0:
0x88: {  	s2 =	sld [smem:$0x3FD9]  }
0x89: {  	s3 =	sld [smem:$0x3FFE];
	_ =	sdelay $0x1  }
0x8a: {  	s1 =	srdreg.scid  }
0x8b: {  	s0 =	sand.u32 $0x1, s1  }
0x8c: {  	s17 =	sshll.u32 s0, $0xA;
	s2 =	sadd.s32 s3, s2  }
0x8d: {  	s2 =	sadd.s32 s2, s17  }
0x8e: {  	[smem:$0x3FC2] =	sst s2  }
0x8f: {  	_ = 	snop  }
0x90: {  	s2 =	sld [smem:$0x3FD0];
	(tm) =	ssettm $0x1  }
0x91: {  	s18 =	sld [smem:$0x3FFB];
	_ =	sdelay $0x3  }
0x92: {  	_ =	strace s18  }
0x93: {  	s3 =	sld [smem:$0x3FFC];
	_ =	sdelay $0x3  }
0x94: {  	_ =	strace s3  }
0x95: {  	s3 =	sld [smem:$0x3FFD];
	_ =	sdelay $0x3  }
0x96: {  	_ =	strace s3  }
0x97: {  	_ =	strace $0x8FFFFFFF  }
0x98: {  	s19 =	sld [smem:$0x3FDB];
	_ =	sdelay $0x1  }
0x99: {  	s4 =	simm.s32 $_scs_section_size  }
0x9a: {  	s5 =	simm.s32 $_size__tile_overlayer_lowered;
	s6 =	simm.s32 $_tile_overlayer_lowered  }
0x9b: {  	s22 =	simm.s32 $0x1BFF;
	s21 =	sshll.u32 s6, $0x1;
	s3 =	sadd.s32 s4, s19  }
0x9c: {  	s7 =	simm.s32 $0x0;
	s20 =	sshll.u32 s5, $0x1;
	s5 =	sadd.s32 s21, s3  }
0x9d: {  	[timem:s7], [sflag:s22] =	dma.local [hbm:s5], s20  }
0x9e: {  	_ =	swait.ge [sflag:s22], s20  }
0x9f: {  	s4 =	ssub.s32 $0x0, s20;
	[sflag:s22] =	ssyncset.done $0x0  }
0xa0: {  	[sflag:s22] =	ssyncadd.s32 s4;
	_ =	sdelay $0x1  }
0xa1: {  	s23 =	simm.s32 $0x1B8B  }
0xa2: {  	_ =	swait.ge [sflag:s23], $0x1  }
0xa3: {  	[sflag:s23] =	ssyncset.done $0x0  }
0xa4: {  	s25 =	simm.s32 $0x1B8E;
	s24 =	sld [smem:$0x3FFE];
	[sflag:s23] =	ssyncadd.s32 $0xFFFFFFFF  }
0xa5: {  	s26 =	simm.s32 $execute0_lowered;
	[smem:$0x3FD2] =	sst s25  }
0xa6: {  	s5 =	sshll.u32 s26, $0x1;
	_ =	strace $0x8000004C;
	[dreg:$0x1] =	wrdreg $0xFFFFFFFF  }
0xa7: {  	s28 =	simm.s32 $_size_execute0_lowered;
	s3 =	sadd.s32 s3, s5;
	[dreg:$0x0] =	wrdreg $0x0  }
0xa8: {  	s5 =	sshll.u32 s28, $0x1;
	[dreg:$0x2] =	wrdreg s3  }
0xa9: {  	[dreg:$0x3] =	wrdreg s5  }
0xaa: {  	[dreg:$0x4] =	wrdreg $0xC0  }
0xab: {  	_ =	task [dreg:s7], $0x5FFFF  }
0xac: {  	[dreg:$0x1] =	wrdreg $0xFFFFFFFF  }
0xad: {  	[dreg:$0x0] =	wrdreg $0x60  }
0xae: {  	[dreg:$0x2] =	wrdreg s24  }
0xaf: {  	[dreg:$0x3] =	wrdreg s2  }
0xb0: {  	[dreg:$0x4] =	wrdreg $0x14F000  }
0xb1: {  	[dreg:$0x5] =	wrdreg $0xB1000  }
0xb2: {  	[dreg:$0x6] =	wrdreg $0x9  }
0xb3: {  	_ =	task.clear_ibuf [dreg:s7], $0x7FFFF;
	_ =	strace $0x9000004C  }
0xb4: {  	s29 =	simm.s32 $0x9;
	_ =	strace $0x8000004E  }
0xb5: {  	_ =	swait.ge [sflag:s29], $0x1  }
0xb6: {  	[sflag:s29] =	ssyncadd.s32 $0xFFFFFFFF  }
0xb7: {  	_ =	strace $0x9000004E  }
0xb8: {  	_ =	sfence  }
0xb9: {  	s30 =	sld [smem:$0x0];
	_ =	sdelay $0x2  }
0xba: {  	s31 =	sshll.u32 s1, $0xD;
	s1 =	sshrl.u32 s1, $0x2  }
0xbb: {  	s3 =	sand.u32 $0x4000, s31;
	s1 =	sadd.s32 s1, s30  }
0xbc: {  	s0 =	sor.u32 s3, s0;
	s1 =	sshll.u32 s1, $0x11  }
0xbd: {  	s0 =	sor.u32 s1, s0  }
0xbe: {  	s0 =	sadd.s32 $0x8F2B, s0  }
0xbf: {  	[sflag:s0] =	ssyncadd.remote.s32 $0x1  }
0xc0: {  	_ =	sfence.sel $0xFFFF  }
0xc1: {  	[dreg:$0x0] =	wrdreg $0xFFFFFFFF;
	(pc) =	sbr.abs _section_cstart, $3  }
0xc2: {  	[dreg:$0x1] =	wrdreg $0xFFFFFFFF  }
0xc3: {  	_ =	task.clear_ibuf [dreg:s7], $0x2FFFF;
	_ =	strace $0x9FFFFFFF  }
0xc4: {  	(tm) =	ssettm $0x7FFFFFFF  }
0xc5: {  	_ =	shalt  }
tec
execute0_lowered:
.L_overlay_start_1:
0x0: {  	(tag) =	ssettag $0x1  }
0x1: {  	s0 =	rddreg [dreg:$0x0]  }
0x2: {  	s1 =	rddreg [dreg:$0x1]  }
0x3: {  	s2 =	rddreg [dreg:$0x2]  }
0x4: {  	s3 =	rddreg [dreg:$0x3];
	s4 =	simm.s32 $0x0  }
0x5: {  	s12 =	stileid.u32;
	s5 =	srdreg.scid;
	s16 =	simm.s32 $0x80  }
0x6: {  	s17 =	simm.s32 $0x5100;
	s18 =	simm.s32 $0x7100;
	s20 =	simm.s32 $0x9100  }
0x7: {  	s21 =	simm.s32 $0x1;
	s22 =	simm.s32 $0x2;
	s24 =	simm.s32 $0x4  }
0x8: {  	s28 =	simm.s32 $0x2980;
	s29 =	simm.s32 $0x5;
	s30 =	simm.s32 $0x200  }
0x9: {  	s31 =	simm.s32 $0x6;
	s8 =	smul.u32 $0x9E00, s12;
	s5 =	sand.u32 $0x1, s5  }
0xa: {  	s6 =	sshll.u32 s12, $0x1;
	[smem:$0x7FF] =	sst s4;
	s26 =	sshll.u32 s12, $0x6  }
0xb: {  	s12 =	simm.s32 $0x2880;
	s6 =	sor.u32 s5, s6;
	s7 =	smul.u32 $0x9E000, s5  }
0xc: {  	_ =	strace $0x8000004D;
	s5 =	ssub.s32 $0x2, s5;
	s13 =	sor.u32 $0x1C07, s26  }
0xd: {  	s26 =	simm.s32 $0x3;
	s9 =	sshrl.u32 s8, $0x3;
	s6 =	smul.u32 $0x510, s6  }
0xe: {  	s11 =	sshrl.u32 s5, $0x1;
	s14 =	sadd.s32 s8, s2;
	s25 =	sadd.s32 s8, s3  }
0xf: {  	s10 =	sadd.s32 s9, s0;
	s7 =	sadd.s32 s8, s7;
	s11 =	ssub.s32 s5, s11  }
.Ltmp0:
0x10: {  	s14 =	sshrl.u32 s14, $0x3;
	s15 =	sshrl.u32 s25, $0x3;
	(pc) =	sbr.rel .LBB2_1-.Ltmp0, $4  }
0x11: {  	s6 =	sadd.s32 s6, s0;
	s7 =	sshrl.u32 s7, $0x3;
	s8 =	sadd.s32 $0x25800, s10  }
0x12: {  	s10 =	smax.u32 s11, $0x1;
	s11 =	simm.s32 $0x7;
	s0 =	sadd.s32 s7, s0  }
0x13: {  	s5 =	sadd.s32 $0x1B600, s6;
	s6 =	sadd.s32 $0x11400, s6;
	s7 =	sadd.s32 s1, s9  }
0x14: {  	s1 =	simm.s32 $0x0;
	s9 =	sadd.s32 $0x39400, s0;
	s0 =	simm.s32 $0x5080  }
.LBB2_4:
0x15: {  	_ =	swait.ge [sflag:s26], $0x2000  }
0x16: {  	[sflag:s26] =	ssyncset.done $0x0  }
0x17: {  	[sflag:s26] =	ssyncadd.s32 $0xFFFFE000  }
0x18: {  	[spmem:s2] =	stream.indirect.scatter.add.f32 [tilespmem:s20], [sflag:$0x6], $0x40, s0, s16, $0xb8;
	[tilespmem:$0x1ED00] =	vst v63  }
0x19: {  	_ =	swait.ge [sflag:s24], $0x2000  }
0x1a: {  	[sflag:s24] =	ssyncset.done $0x0  }
0x1b: {  	[sflag:s24] =	ssyncadd.s32 $0xFFFFE000  }
0x1c: {  	_ =	swait.ge [sflag:s29], $0x2000  }
0x1d: {  	[sflag:s29] =	ssyncset.done $0x0  }
0x1e: {  	[sflag:s29] =	ssyncadd.s32 $0xFFFFE000  }
0x1f: {  	_ =	swait.ge [sflag:s31], $0x2000  }
0x20: {  	s1 =	sadd.s32 $0x1, s1;
	[sflag:s31] =	ssyncset.done $0x0  }
0x21: {  	p0 =	sne.s32 s1, s10;
	[sflag:s31] =	ssyncadd.s32 $0xFFFFE000  }
.Ltmp1:
0x22: {  	[bflag:$0x0] =	sbarrier.arrive $0xFFFF;
	(pc) =	sbr.rel @!p0 .LBB2_5-.Ltmp1, $4  }
0x23: {  	[hbm:s9], [sflag:s13] =	dma.local [spmem:s14], $0x13C0  }
0x24: {  	_ =	swait.ge [sflag:s11], $0x13C0  }
0x25: {  	[sflag:s11] =	ssyncset.done $0x0  }
0x26: {  	[sflag:s11] =	ssyncadd.s32 $0xFFFFEC40  }
.LBB2_1:
0x27: {  	[tilespmem:s4], [sflag:$0x7] =	stream.linear.gather [hbm4b:s5+s4], $0x2880, $0x38;
	[tilespmem:$0x1ED00] =	vst v63  }
0x28: {  	_ =	swait.ge [sflag:s11], $0x2880  }
0x29: {  	[sflag:s11] =	ssyncset.done $0x0  }
0x2a: {  	[sflag:s11] =	ssyncadd.s32 $0xFFFFD780  }
0x2b: {  	[tilespmem:s12], [sflag:$0x7] =	stream.linear.gather [hbm4b:s6+s4], $0x2880, $0x38;
	[tilespmem:$0x1ED00] =	vst v63  }
0x2c: {  	_ =	swait.ge [sflag:s11], $0x2880  }
0x2d: {  	[sflag:s11] =	ssyncset.done $0x0  }
0x2e: {  	[sflag:s11] =	ssyncadd.s32 $0xFFFFD780  }
0x2f: {  	[spmem:s14], [sflag:s13] =	dma.local [hbm:s7], $0x13C0  }
0x30: {  	_ =	swait.ge [sflag:s11], $0x13C0  }
0x31: {  	[sflag:s11] =	ssyncset.done $0x0  }
0x32: {  	[sflag:s11] =	ssyncadd.s32 $0xFFFFEC40  }
0x33: {  	[spmem:s15], [sflag:s13] =	dma.local [hbm:s8], $0x13C0  }
0x34: {  	_ =	swait.ge [sflag:s11], $0x13C0  }
0x35: {  	[sflag:s11] =	ssyncset.done $0x0  }
0x36: {  	[sflag:s11] =	ssyncadd.s32 $0xFFFFEC40  }
0x37: {  	[bflag:$0x0] =	sbarrier.arrive $0xFFFF  }
0x38: {  	[tilespmem:s17], [sflag:$0x1] =	stream.indirect.gather [spmem:s3], $0x40, s4, s16, $0xb8;
	[tilespmem:$0x1ED00] =	vst v63  }
0x39: {  	_ = 	snop  }
0x3a: {  	[tilespmem:s18], [sflag:$0x2] =	stream.indirect.gather [spmem:s3], $0x40, s16, s16, $0xb8;
	[tilespmem:$0x1ED00] =	vst v63  }
0x3b: {  	s19 =	simm.s32 $0x100  }
0x3c: {  	[tilespmem:s20], [sflag:$0x3] =	stream.indirect.gather [spmem:s3], $0x40, s19, s16, $0xb8;
	[tilespmem:$0x1ED00] =	vst v63  }
0x3d: {  	_ =	swait.ge [sflag:s21], $0x2000  }
0x3e: {  	[sflag:s21] =	ssyncset.done $0x0  }
0x3f: {  	[sflag:s21] =	ssyncadd.s32 $0xFFFFE000  }
0x40: {  	[spmem:s2] =	stream.indirect.scatter.add.f32 [tilespmem:s17], [sflag:$0x4], $0x40, s12, s16, $0xb8;
	[tilespmem:$0x1ED00] =	vst v63  }
0x41: {  	_ =	swait.ge [sflag:s22], $0x2000  }
0x42: {  	[sflag:s22] =	ssyncset.done $0x0  }
0x43: {  	s23 =	simm.s32 $0x2900;
	[sflag:s22] =	ssyncadd.s32 $0xFFFFE000  }
0x44: {  	[spmem:s2] =	stream.indirect.scatter.add.f32 [tilespmem:s18], [sflag:$0x5], $0x40, s23, s16, $0xb8;
	[tilespmem:$0x1ED00] =	vst v63  }
0x45: {  	_ =	swait.ge [sflag:s24], $0x2000  }
0x46: {  	[sflag:s24] =	ssyncset.done $0x0  }
0x47: {  	s25 =	simm.s32 $0x180;
	[sflag:s24] =	ssyncadd.s32 $0xFFFFE000  }
0x48: {  	[tilespmem:s17], [sflag:$0x1] =	stream.indirect.gather [spmem:s3], $0x40, s25, s16, $0xb8;
	[tilespmem:$0x1ED00] =	vst v63  }
0x49: {  	_ =	swait.ge [sflag:s26], $0x2000  }
0x4a: {  	[sflag:s26] =	ssyncset.done $0x0  }
0x4b: {  	[sflag:s26] =	ssyncadd.s32 $0xFFFFE000  }
0x4c: {  	[spmem:s2] =	stream.indirect.scatter.add.f32 [tilespmem:s20], [sflag:$0x6], $0x40, s28, s16, $0xb8;
	[tilespmem:$0x1ED00] =	vst v63  }
0x4d: {  	_ =	swait.ge [sflag:s29], $0x2000  }
0x4e: {  	[sflag:s29] =	ssyncset.done $0x0  }
0x4f: {  	s19 =	simm.s32 $0x0;
	[sflag:s29] =	ssyncadd.s32 $0xFFFFE000  }
0x50: {  	[tilespmem:s18], [sflag:$0x2] =	stream.indirect.gather [spmem:s3], $0x40, s30, s16, $0xb8;
	[tilespmem:$0x1ED00] =	vst v63  }
.LBB2_2:
0x51: {  	_ =	swait.ge [sflag:s21], $0x2000  }
0x52: {  	s23 =	sshra.s32 s19, $0x2;
	[sflag:s21] =	ssyncset.done $0x0  }
0x53: {  	s25 =	sadd.s32 $0x2A00, s23;
	[sflag:s21] =	ssyncadd.s32 $0xFFFFE000  }
0x54: {  	[spmem:s2] =	stream.indirect.scatter.add.f32 [tilespmem:s17], [sflag:$0x4], $0x40, s25, s16, $0xb8;
	[tilespmem:$0x1ED00] =	vst v63  }
0x55: {  	_ =	swait.ge [sflag:s31], $0x2000  }
0x56: {  	[sflag:s31] =	ssyncset.done $0x0  }
0x57: {  	p0 =	seq.s32 s19, $0x9600;
	s25 =	sadd.s32 $0x280, s23;
	[sflag:s31] =	ssyncadd.s32 $0xFFFFE000  }
0x58: {  	[tilespmem:s20], [sflag:$0x3] =	stream.indirect.gather [spmem:s3], $0x40, s25, s16, $0xb8;
	[tilespmem:$0x1ED00] =	vst v63  }
.Ltmp2:
0x59: {  	_ = 	snop;
	(pc) =	sbr.rel @p0 .LBB2_4-.Ltmp2, $4  }
0x5a: {  	_ =	swait.ge [sflag:s22], $0x2000  }
0x5b: {  	[sflag:s22] =	ssyncset.done $0x0  }
0x5c: {  	s25 =	sadd.s32 $0x2A80, s23;
	[sflag:s22] =	ssyncadd.s32 $0xFFFFE000  }
0x5d: {  	[spmem:s2] =	stream.indirect.scatter.add.f32 [tilespmem:s18], [sflag:$0x5], $0x40, s25, s16, $0xb8;
	[tilespmem:$0x1ED00] =	vst v63  }
0x5e: {  	_ =	swait.ge [sflag:s24], $0x2000  }
0x5f: {  	[sflag:s24] =	ssyncset.done $0x0  }
0x60: {  	s25 =	sadd.s32 $0x300, s23;
	[sflag:s24] =	ssyncadd.s32 $0xFFFFE000  }
0x61: {  	[tilespmem:s17], [sflag:$0x1] =	stream.indirect.gather [spmem:s3], $0x40, s25, s16, $0xb8;
	[tilespmem:$0x1ED00] =	vst v63  }
0x62: {  	_ =	swait.ge [sflag:s26], $0x2000  }
0x63: {  	[sflag:s26] =	ssyncset.done $0x0  }
0x64: {  	s25 =	sadd.s32 $0x2B00, s23;
	[sflag:s26] =	ssyncadd.s32 $0xFFFFE000  }
0x65: {  	[spmem:s2] =	stream.indirect.scatter.add.f32 [tilespmem:s20], [sflag:$0x6], $0x40, s25, s16, $0xb8;
	[tilespmem:$0x1ED00] =	vst v63  }
.Ltmp3:
0x66: {  	_ = 	snop;
	(pc) =	sbr.rel .LBB2_2-.Ltmp3, $4  }
0x67: {  	_ =	swait.ge [sflag:s29], $0x2000  }
0x68: {  	[sflag:s29] =	ssyncset.done $0x0  }
0x69: {  	s19 =	sadd.s32 $0x600, s19;
	s25 =	sadd.s32 $0x380, s23;
	[sflag:s29] =	ssyncadd.s32 $0xFFFFE000  }
0x6a: {  	[tilespmem:s18], [sflag:$0x2] =	stream.indirect.gather [spmem:s3], $0x40, s25, s16, $0xb8;
	[tilespmem:$0x1ED00] =	vst v63  }
.LBB2_5:
0x6b: {  	_ =	sfence.sel $0x180000  }
0x6c: {  	[bflag:$0x0] =	sbarrier.arrive $0xFFFF  }
0x6d: {  	_ =	strace $0x9000004D  }
0x6e: {  	s0 =	stileid.u32;
	[bflag:$0x2] =	sbarrier.arrive $0xFFFF  }
0x6f: {  	p0 =	sne.s32 s0, $0x0;
	s0 =	rddreg [dreg:$0x4]  }
0x70: {  	s0 =	sadd.s32 @!p0 $0x100000, s0  }
0x71: {  	[sflag:s0] =	ssyncadd.tile.s32 @!p0 $0x1;
	_ =	shalt  }
.Lfunc_end2:
_tile_overlayer_lowered:
.L_overlay_start_2:
0x72: {  	(tag) =	ssettag $0x2  }
0x73: {  	s0 =	rddreg [dreg:$0x0];
	s2 =	stileid.u32  }
0x74: {  	s1 =	rddreg [dreg:$0x1];
	p0 =	sne.s32 s2, $0x0  }
0x75: {  	s3 =	rddreg [dreg:$0x2];
	[bflag:$0x3] =	sbarrier.arrive $0xFFFF;
	s2 =	simm.s32 @!p0 $0x1C07  }
0x76: {  	[timem:s3], [sflag:s2] =	dma.local @!p0 [hbm:s0], s1  }
0x77: {  	s0 =	simm.s32 @!p0 $0x7  }
0x78: {  	_ =	swait.ge @!p0 [sflag:s0], s1  }
0x79: {  	s1 =	ssub.s32 @!p0 $0x0, s1;
	[sflag:s0] =	ssyncset.done @!p0 $0x0  }
0x7a: {  	[sflag:s0] =	ssyncadd.s32 @!p0 s1  }
0x7b: {  	[bflag:$0x3] =	sbarrier.arrive $0xFFFF  }
0x7c: {  	_ =	shalt  }

// kernel: kernel.8.cloned.1.call-start
scs
__scs_entry_jumppad:
0x0: {  	(pc) =	sbr.rel $0x88, $3  }
0x1: {  	(tag) =	ssettag $0x0;
	lr =	simm.s32 $0x1  }
0x2: {  	[smem:$0x3F9B] =	sst lr;
	_ =	strace $0xD0000000  }
0x3: {  	_ = 	snop  }
0x4: {  	_ = 	snop  }
0x5: {  	_ = 	snop  }
0x6: {  	_ = 	snop  }
0x7: {  	_ = 	snop  }
__scs_overlays_trampoline_lowered:
0x8: {  	[smem:$0x3FAA] =	sst s0  }
0x9: {  	[smem:$0x3FAB] =	sst s1  }
0xa: {  	[smem:$0x3FAC] =	sst s2  }
0xb: {  	[smem:$0x3FAD] =	sst s3  }
0xc: {  	[smem:$0x3FAE] =	sst s4  }
0xd: {  	[smem:$0x3FAF] =	sst s5  }
0xe: {  	[smem:$0x3FB0] =	sst s6  }
0xf: {  	[smem:$0x3FB1] =	sst s7  }
0x10: {  	[smem:$0x3FB2] =	sst s8  }
0x11: {  	[smem:$0x3FB3] =	sst s9;
	s0 =	simm.s32 @!p0 $0x0  }
0x12: {  	s1 =	sld [smem:$0x3F99];
	s0 =	simm.s32 @p0 $0x1  }
0x13: {  	[smem:$0x3FB4] =	sst s0;
	s0 =	simm.s32 @!p1 $0x0  }
0x14: {  	s2 =	sld [smem:$0x3F98];
	s0 =	simm.s32 @p1 $0x1  }
0x15: {  	[smem:$0x3FB5] =	sst s0;
	s0 =	simm.s32 @!p2 $0x0  }
0x16: {  	s3 =	sld [smem:$0x3FDB];
	s0 =	simm.s32 @p2 $0x1  }
0x17: {  	s4 =	simm.s32 $0x1BF5;
	[smem:$0x3FB7] =	sst s0  }
0x18: {  	s0 =	sld [smem:$0x3F9A];
	_ =	swait.ge [sflag:s4], $0x0  }
0x19: {  	s7 =	sld [smem:$0x3F9B]  }
0x1a: {  	s8 =	sadd.s32 $0xFFFFE003, lr  }
0x1b: {  	s9 =	sadd.s32 $0xFFFFFEF7, lr;
	s5 =	simm.s32 $0xFFFFFFFF;
	p2 =	slt.u32 s8, $0xFFFFF086  }
0x1c: {  	p1 =	slt.u32 s9, $0xF7A;
	s5 =	simm.s32 @!p2 $0x0  }
0x1d: {  	s5 =	simm.s32 @p1 $0x1;
	p0 =	seq.s32 s7, s2  }
0x1e: {  	s7 =	smul.u32 @!p0 $0xF7A, s2;
	p2 =	seq.s32 @!p0 s5, $0x0  }
0x1f: {  	s9 =	smul.u32 $0xF7A, s1;
	s8 =	simm.s32 @!p0 $0x1BF5;
	p2 =	por !p2, p0  }
0x20: {  	[sflag:s8] =	ssyncset.s32 @!p0 $0xFFFFF086;
	s6 =	sadd.s32 @!p0 s3, s7;
	s7 =	simm.s32 @!p0 $0x108  }
0x21: {  	s3 =	sadd.s32 s3, s9;
	s6 =	sadd.s32 @!p0 $0x88, s6;
	s7 =	simm.s32 @p2 $0x1082  }
0x22: {  	[simem:s7], [sflag:s8] =	dma.local @!p0 [hbm:s6], $0xF7A  }
0x23: {  	s9 =	sor.u32 $0xD0000000, s2;
	s6 =	simm.s32 $0x108;
	_ =	swait.ge @!p0 [sflag:s8], $0x0  }
0x24: {  	s3 =	sadd.s32 $0x88, s3;
	s6 =	simm.s32 @!p1 $0x1082;
	[sflag:s4] =	ssyncset.s32 $0xFFFFF086  }
0x25: {  	[simem:s6], [sflag:s4] =	dma.local [hbm:s3], $0xF7A  }
0x26: {  	[smem:$0x3F9B] =	sst s1;
	(tag) =	ssettag s2;
	_ =	strace s9  }
0x27: {  	s1 =	sld [smem:$0x3FAB]  }
0x28: {  	s2 =	sld [smem:$0x3FAC]  }
0x29: {  	s4 =	sld [smem:$0x3FAE]  }
0x2a: {  	p0 =	seq.s32 s5, $0x0;
	s5 =	sld [smem:$0x3FAF]  }
0x2b: {  	s6 =	sld [smem:$0x3FB0]  }
0x2c: {  	s7 =	sld [smem:$0x3FB1]  }
0x2d: {  	s3 =	simm.s32 $0x108;
	s8 =	sld [smem:$0x3FB2]  }
0x2e: {  	s3 =	simm.s32 @!p0 $0x1082;
	s9 =	sld [smem:$0x3FB3]  }
0x2f: {  	lr =	sadd.s32 s0, s3;
	s0 =	sld [smem:$0x3FAA]  }
0x30: {  	s3 =	sld [smem:$0x3FAD]  }
0x31: {  	[smem:$0x3FB6] =	sst s10  }
0x32: {  	s10 =	sld [smem:$0x3FB4];
	_ =	sdelay $0x3  }
0x33: {  	p0 =	seq.s32 s10, $0x1;
	s10 =	sld [smem:$0x3FB6];
	_ =	sdelay $0x3  }
0x34: {  	[smem:$0x3FB6] =	sst s10  }
0x35: {  	s10 =	sld [smem:$0x3FB5];
	_ =	sdelay $0x3  }
0x36: {  	p1 =	seq.s32 s10, $0x1;
	s10 =	sld [smem:$0x3FB6];
	_ =	sdelay $0x3  }
0x37: {  	[smem:$0x3FB6] =	sst s10  }
0x38: {  	s10 =	sld [smem:$0x3FB7]  }
0x39: {  	_ = 	snop;
	(pc) =	sbr.ind lr, $3  }
0x3a: {  	_ = 	snop  }
0x3b: {  	_ = 	snop  }
0x3c: {  	p2 =	seq.s32 s10, $0x1;
	s10 =	sld [smem:$0x3FB6]  }
0x3d: {  	_ =	shalt  }
0x3e: {  	_ =	shalt  }
0x3f: {  	_ =	shalt  }
0x40: {  	_ =	shalt  }
0x41: {  	_ =	shalt  }
0x42: {  	_ =	shalt  }
0x43: {  	_ =	shalt  }
0x44: {  	_ =	shalt  }
0x45: {  	_ =	shalt  }
0x46: {  	_ =	shalt  }
0x47: {  	_ =	shalt  }
0x48: {  	_ =	shalt  }
0x49: {  	_ =	shalt  }
0x4a: {  	_ =	shalt  }
0x4b: {  	_ =	shalt  }
0x4c: {  	_ =	shalt  }
0x4d: {  	_ =	shalt  }
0x4e: {  	_ =	shalt  }
0x4f: {  	_ =	shalt  }
0x50: {  	_ =	shalt  }
0x51: {  	_ =	shalt  }
0x52: {  	_ =	shalt  }
0x53: {  	_ =	shalt  }
0x54: {  	_ =	shalt  }
0x55: {  	_ =	shalt  }
0x56: {  	_ =	shalt  }
0x57: {  	_ =	shalt  }
0x58: {  	_ =	shalt  }
0x59: {  	_ =	shalt  }
0x5a: {  	_ =	shalt  }
0x5b: {  	_ =	shalt  }
0x5c: {  	_ =	shalt  }
0x5d: {  	_ =	shalt  }
0x5e: {  	_ =	shalt  }
0x5f: {  	_ =	shalt  }
0x60: {  	_ =	shalt  }
0x61: {  	_ =	shalt  }
0x62: {  	_ =	shalt  }
0x63: {  	_ =	shalt  }
0x64: {  	_ =	shalt  }
0x65: {  	_ =	shalt  }
0x66: {  	_ =	shalt  }
0x67: {  	_ =	shalt  }
0x68: {  	_ =	shalt  }
0x69: {  	_ =	shalt  }
0x6a: {  	_ =	shalt  }
0x6b: {  	_ =	shalt  }
0x6c: {  	_ =	shalt  }
0x6d: {  	_ =	shalt  }
0x6e: {  	_ =	shalt  }
0x6f: {  	_ =	shalt  }
0x70: {  	_ =	shalt  }
0x71: {  	_ =	shalt  }
0x72: {  	_ =	shalt  }
0x73: {  	_ =	shalt  }
0x74: {  	_ =	shalt  }
0x75: {  	_ =	shalt  }
0x76: {  	_ =	shalt  }
0x77: {  	_ =	shalt  }
0x78: {  	_ =	shalt  }
0x79: {  	_ =	shalt  }
0x7a: {  	_ =	shalt  }
0x7b: {  	_ =	shalt  }
0x7c: {  	_ =	shalt  }
0x7d: {  	_ =	shalt  }
0x7e: {  	_ =	shalt  }
0x7f: {  	_ =	shalt  }
0x80: {  	_ =	shalt  }
0x81: {  	_ =	shalt  }
0x82: {  	_ =	shalt  }
0x83: {  	_ =	shalt  }
0x84: {  	_ =	shalt  }
0x85: {  	_ =	shalt  }
0x86: {  	_ =	shalt  }
0x87: {  	_ =	shalt  }
.Lfunc_end0:
.L_simem_size_0:
called_computation_lowered:
.L_overlay_start_0:
0x88: {  	s2 =	sld [smem:$0x3FD9]  }
0x89: {  	s3 =	sld [smem:$0x3FFE];
	_ =	sdelay $0x1  }
0x8a: {  	s1 =	srdreg.scid  }
0x8b: {  	s0 =	sand.u32 $0x1, s1  }
0x8c: {  	s17 =	sshll.u32 s0, $0xA;
	s2 =	sadd.s32 s3, s2  }
0x8d: {  	s2 =	sadd.s32 s2, s17  }
0x8e: {  	[smem:$0x3FC2] =	sst s2  }
0x8f: {  	_ = 	snop  }
0x90: {  	s2 =	sld [smem:$0x3FD0];
	(tm) =	ssettm $0x1  }
0x91: {  	s18 =	sld [smem:$0x3FFB];
	_ =	sdelay $0x3  }
0x92: {  	_ =	strace s18  }
0x93: {  	s3 =	sld [smem:$0x3FFC];
	_ =	sdelay $0x3  }
0x94: {  	_ =	strace s3  }
0x95: {  	s3 =	sld [smem:$0x3FFD];
	_ =	sdelay $0x3  }
0x96: {  	_ =	strace s3  }
0x97: {  	_ =	strace $0x8FFFFFFF  }
0x98: {  	s19 =	sld [smem:$0x3FDB];
	_ =	sdelay $0x1  }
0x99: {  	s4 =	simm.s32 $_scs_section_size  }
0x9a: {  	s5 =	simm.s32 $_size__tile_overlayer_lowered;
	s6 =	simm.s32 $_tile_overlayer_lowered  }
0x9b: {  	s22 =	simm.s32 $0x1BFF;
	s21 =	sshll.u32 s6, $0x1;
	s3 =	sadd.s32 s4, s19  }
0x9c: {  	s7 =	simm.s32 $0x0;
	s20 =	sshll.u32 s5, $0x1;
	s5 =	sadd.s32 s21, s3  }
0x9d: {  	[timem:s7], [sflag:s22] =	dma.local [hbm:s5], s20  }
0x9e: {  	_ =	swait.ge [sflag:s22], s20  }
0x9f: {  	s4 =	ssub.s32 $0x0, s20;
	[sflag:s22] =	ssyncset.done $0x0  }
0xa0: {  	[sflag:s22] =	ssyncadd.s32 s4;
	_ =	sdelay $0x1  }
0xa1: {  	s23 =	simm.s32 $0x1B8B  }
0xa2: {  	_ =	swait.ge [sflag:s23], $0x1  }
0xa3: {  	[sflag:s23] =	ssyncset.done $0x0  }
0xa4: {  	s25 =	simm.s32 $0x1B8E;
	s24 =	sld [smem:$0x3FFE];
	[sflag:s23] =	ssyncadd.s32 $0xFFFFFFFF  }
0xa5: {  	s26 =	simm.s32 $execute0_lowered;
	[smem:$0x3FD2] =	sst s25  }
0xa6: {  	s5 =	sshll.u32 s26, $0x1;
	_ =	strace $0x80000046;
	[dreg:$0x1] =	wrdreg $0xFFFFFFFF  }
0xa7: {  	s28 =	simm.s32 $_size_execute0_lowered;
	s3 =	sadd.s32 s3, s5;
	[dreg:$0x0] =	wrdreg $0x0  }
0xa8: {  	s5 =	sshll.u32 s28, $0x1;
	[dreg:$0x2] =	wrdreg s3  }
0xa9: {  	[dreg:$0x3] =	wrdreg s5  }
0xaa: {  	[dreg:$0x4] =	wrdreg $0xC0  }
0xab: {  	_ =	task [dreg:s7], $0x5FFFF  }
0xac: {  	[dreg:$0x1] =	wrdreg $0xFFFFFFFF  }
0xad: {  	[dreg:$0x0] =	wrdreg $0x60  }
0xae: {  	[dreg:$0x2] =	wrdreg s2  }
0xaf: {  	[dreg:$0x3] =	wrdreg s24  }
0xb0: {  	[dreg:$0x4] =	wrdreg $0x30000  }
0xb1: {  	[dreg:$0x5] =	wrdreg $0x9  }
0xb2: {  	_ =	task.clear_ibuf [dreg:s7], $0x6FFFF;
	_ =	strace $0x90000046  }
0xb3: {  	s29 =	simm.s32 $0x9;
	_ =	strace $0x80000048  }
0xb4: {  	_ =	swait.ge [sflag:s29], $0x1  }
0xb5: {  	[sflag:s29] =	ssyncadd.s32 $0xFFFFFFFF  }
0xb6: {  	_ =	strace $0x90000048  }
0xb7: {  	_ =	sfence  }
0xb8: {  	s30 =	sld [smem:$0x0];
	_ =	sdelay $0x2  }
0xb9: {  	s31 =	sshll.u32 s1, $0xD;
	s1 =	sshrl.u32 s1, $0x2  }
0xba: {  	s3 =	sand.u32 $0x4000, s31;
	s1 =	sadd.s32 s1, s30  }
0xbb: {  	s0 =	sor.u32 s3, s0;
	s1 =	sshll.u32 s1, $0x11  }
0xbc: {  	s0 =	sor.u32 s1, s0  }
0xbd: {  	s0 =	sadd.s32 $0x8F2B, s0  }
0xbe: {  	[sflag:s0] =	ssyncadd.remote.s32 $0x1  }
0xbf: {  	_ =	sfence.sel $0xFFFF  }
0xc0: {  	[dreg:$0x0] =	wrdreg $0xFFFFFFFF;
	(pc) =	sbr.abs _section_cstart, $3  }
0xc1: {  	[dreg:$0x1] =	wrdreg $0xFFFFFFFF  }
0xc2: {  	_ =	task.clear_ibuf [dreg:s7], $0x2FFFF;
	_ =	strace $0x9FFFFFFF  }
0xc3: {  	(tm) =	ssettm $0x7FFFFFFF  }
tec
execute0_lowered:
.L_overlay_start_1:
0x0: {  	(tag) =	ssettag $0x1  }
0x1: {  	s5 =	rddreg [dreg:$0x0]  }
0x2: {  	s6 =	rddreg [dreg:$0x1]  }
0x3: {  	s2 =	rddreg [dreg:$0x2];
	s0 =	stileid.u32  }
0x4: {  	s4 =	srdreg.scid;
	s1 =	rddreg [dreg:$0x3]  }
0x5: {  	s3 =	simm.s32 $0x0;
	s13 =	simm.s32 $0x80;
	s14 =	simm.s32 $0x0  }
0x6: {  	s7 =	smul.u32 $0x2780, s0;
	s4 =	sand.u32 $0x1, s4;
	[smem:$0x7FF] =	sst s3  }
0x7: {  	s10 =	sshll.u32 s0, $0x1;
	s31 =	sshll.u32 s0, $0x6;
	s9 =	smul.u32 $0x27800, s4  }
0x8: {  	_ =	strace $0x80000047;
	s11 =	ssub.s32 $0x2, s4;
	s4 =	sor.u32 s4, s10  }
0x9: {  	s8 =	sshrl.u32 s7, $0x3;
	s29 =	sshrl.u32 s11, $0x1;
	s12 =	smul.u32 $0x500, s4  }
0xa: {  	s4 =	sadd.s32 $0x7400, s6;
	s30 =	sadd.s32 s7, s2;
	s8 =	sadd.s32 s8, s6  }
0xb: {  	s9 =	sadd.s32 s7, s9;
	s10 =	ssub.s32 s11, s29;
	s11 =	sor.u32 $0x1C01, s31  }
0xc: {  	s9 =	sshrl.u32 s9, $0x3;
	s5 =	sadd.s32 s5, s12;
	s12 =	sshrl.u32 s30, $0x3  }
0xd: {  	s9 =	sadd.s32 s9, s6;
	s6 =	sadd.s32 $0x2400, s8;
	s8 =	smax.u32 s10, $0x1  }
0xe: {  	s10 =	simm.s32 $0x2800;
	s7 =	sadd.s32 $0x7600, s9;
	s9 =	simm.s32 $0x1  }
.LBB2_1:
0xf: {  	[tilespmem:s3], [sflag:$0x1] =	stream.linear.gather [hbm4b:s5+s3], $0x2800, $0x38;
	[tilespmem:$0x5780] =	vst v63  }
0x10: {  	_ =	swait.ge [sflag:s9], $0x2800  }
0x11: {  	[sflag:s9] =	ssyncset.done $0x0  }
0x12: {  	[sflag:s9] =	ssyncadd.s32 $0xFFFFD800  }
0x13: {  	[tilespmem:s10], [sflag:$0x1] =	stream.linear.gather [hbm4b:s4+s3], $0x800, $0x38;
	[tilespmem:$0x5780] =	vst v63  }
0x14: {  	_ =	swait.ge [sflag:s9], $0x800  }
0x15: {  	[sflag:s9] =	ssyncset.done $0x0  }
0x16: {  	[sflag:s9] =	ssyncadd.s32 $0xFFFFF800  }
0x17: {  	[spmem:s12], [sflag:s11] =	dma.local [hbm:s6], $0x4F0  }
0x18: {  	_ =	swait.ge [sflag:s9], $0x4F0  }
0x19: {  	[sflag:s9] =	ssyncset.done $0x0  }
0x1a: {  	[sflag:s9] =	ssyncadd.s32 $0xFFFFFB10  }
0x1b: {  	s15 =	simm.s32 $0x0;
	[bflag:$0x0] =	sbarrier.arrive $0xFFFF  }
0x1c: {  	[spmem:s2] =	stream.indirect.scatter.add.f32 [tilespmem:s10], [sflag:$0x1], $0x10, s15, s13, $0xb8;
	[tilespmem:$0x5780] =	vst v63  }
0x1d: {  	_ =	swait.ge [sflag:s9], $0x800  }
0x1e: {  	s15 =	simm.s32 $0x200;
	[sflag:s9] =	ssyncset.done $0x0  }
.LBB2_2:
0x1f: {  	s16 =	sshra.s32 s15, $0x2;
	[sflag:s9] =	ssyncadd.s32 $0xFFFFF800;
	p0 =	sne.s32 s15, $0x9E00  }
0x20: {  	[spmem:s2] =	stream.indirect.scatter.add.f32 [tilespmem:s10], [sflag:$0x1], $0x10, s16, s13, $0xb8;
	[tilespmem:$0x5780] =	vst v63  }
.Ltmp0:
0x21: {  	_ = 	snop;
	(pc) =	sbr.rel @p0 .LBB2_2-.Ltmp0, $4  }
0x22: {  	_ = 	snop  }
0x23: {  	s15 =	sadd.s32 $0x200, s15  }
0x24: {  	_ =	swait.ge [sflag:s9], $0x800  }
0x25: {  	[sflag:s9] =	ssyncset.done $0x0  }
0x26: {  	s14 =	sadd.s32 $0x1, s14  }
0x27: {  	[sflag:s9] =	ssyncadd.s32 $0xFFFFF800;
	p0 =	sne.s32 s14, s8  }
.Ltmp1:
0x28: {  	[bflag:$0x0] =	sbarrier.arrive $0xFFFF;
	(pc) =	sbr.rel @p0 .LBB2_1-.Ltmp1, $4  }
0x29: {  	[hbm:s7], [sflag:s11] =	dma.local [spmem:s12], $0x4F0  }
0x2a: {  	_ =	swait.ge [sflag:s9], $0x4F0  }
0x2b: {  	[sflag:s9] =	ssyncset.done $0x0  }
0x2c: {  	[sflag:s9] =	ssyncadd.s32 $0xFFFFFB10  }
0x2d: {  	_ =	sfence.sel $0x180000  }
0x2e: {  	[bflag:$0x0] =	sbarrier.arrive $0xFFFF  }
0x2f: {  	p0 =	sne.s32 s0, $0x0;
	_ =	strace $0x90000047  }
0x30: {  	s0 =	sadd.s32 @!p0 $0x100000, s1;
	[bflag:$0x2] =	sbarrier.arrive $0xFFFF  }
0x31: {  	[sflag:s0] =	ssyncadd.tile.s32 @!p0 $0x1;
	_ =	shalt  }
.Lfunc_end2:
_tile_overlayer_lowered:
.L_overlay_start_2:
0x32: {  	(tag) =	ssettag $0x2  }
0x33: {  	s0 =	rddreg [dreg:$0x0];
	s2 =	stileid.u32  }
0x34: {  	s1 =	rddreg [dreg:$0x1];
	p0 =	sne.s32 s2, $0x0  }
0x35: {  	s3 =	rddreg [dreg:$0x2];
	[bflag:$0x3] =	sbarrier.arrive $0xFFFF;
	s2 =	simm.s32 @!p0 $0x1C01  }
0x36: {  	[timem:s3], [sflag:s2] =	dma.local @!p0 [hbm:s0], s1  }
0x37: {  	s0 =	simm.s32 @!p0 $0x1  }
0x38: {  	_ =	swait.ge @!p0 [sflag:s0], s1  }
0x39: {  	s1 =	ssub.s32 @!p0 $0x0, s1;
	[sflag:s0] =	ssyncset.done @!p0 $0x0  }
0x3a: {  	[sflag:s0] =	ssyncadd.s32 @!p0 s1  }
0x3b: {  	[bflag:$0x3] =	sbarrier.arrive $0xFFFF  }
0x3c: {  	_ =	shalt  }

</sc_bundles>
